<compile_context>
chip_gen: v7x
topology: tpu7x:2x2x1
jax: 0.10.2.dev20260603
libtpu: 0.0.44.dev20260713+nightly
codegen_flags: <defaults>
</compile_context>

<pallas_src>
import functools

import numpy as np
import jax
import jax.numpy as jnp
from jax import lax
from jax.experimental import pallas as pl
from jax.experimental.pallas import tpu as pltpu
from jax.experimental.pallas import tpu_sc as plsc

_EPS = 1e-5
_SC_NC = 2
_SC_NS = 16


def _pos_encoding_np(S, D):
    pos = np.arange(S, dtype=np.float32)[:, None]
    i = np.arange(D, dtype=np.float32)[None, :]
    angle = pos / np.power(10000.0, (2.0 * np.floor(i / 2.0)) / D)
    pe = np.where((np.arange(D) % 2) == 0, np.sin(angle), np.cos(angle))
    return jnp.asarray(pe, dtype=jnp.float32)



def _qkv_body(x_ref, pe_ref, g_ref, b_ref, wq_ref, bq_ref, wk_ref, bk_ref,
              wv_ref, bv_ref, q_ref, k_ref, v_ref):
    xb = x_ref[...]
    m = jnp.mean(xb, axis=1, keepdims=True)
    var = jnp.mean((xb - m) ** 2, axis=1, keepdims=True)
    xn = (xb - m) / jnp.sqrt(var + _EPS) * g_ref[...] + b_ref[...] + pe_ref[...]
    q_ref[...] = jnp.dot(xn, wq_ref[...], preferred_element_type=jnp.float32) + bq_ref[...]
    k_ref[...] = jnp.dot(xn, wk_ref[...], preferred_element_type=jnp.float32) + bk_ref[...]
    v_ref[...] = jnp.dot(xn, wv_ref[...], preferred_element_type=jnp.float32) + bv_ref[...]


def _qkv(x, pe, g, b, Wq, bq, Wk, bk, Wv, bv, bs):
    S, D = x.shape
    grid = (S // bs,)
    row = pl.BlockSpec((bs, D), lambda i: (i, 0))
    full = pl.BlockSpec((D, D), lambda i: (0, 0))
    vec = pl.BlockSpec((1, D), lambda i: (0, 0))
    return pl.pallas_call(
        _qkv_body,
        grid=grid,
        in_specs=[row, row, vec, vec, full, vec, full, vec, full, vec],
        out_specs=[row, row, row],
        out_shape=[jax.ShapeDtypeStruct((S, D), jnp.float32)] * 3,
        compiler_params=pltpu.CompilerParams(
            dimension_semantics=("parallel",)),
    )(x, pe, g, b, Wq, bq, Wk, bk, Wv, bv)



def _attn_body(q_ref, k_ref, v_ref, attn_ref, ctx_ref, *, scale, nchunks, hpb, dh):
    q2 = q_ref[...] * scale
    S = k_ref.shape[0]
    ck = S // nchunks
    halves = []
    for t in range(hpb):
        q = q2[:, t * dh:(t + 1) * dh]
        ps = []
        l = None
        for c in range(nchunks):
            kc = k_ref[pl.ds(c * ck, ck), t * dh:(t + 1) * dh]
            s = lax.dot_general(q, kc, (((1,), (1,)), ((), ())),
                                preferred_element_type=jnp.float32)
            p = jnp.exp(s)
            ps.append(p)
            lc = jnp.sum(p, axis=1, keepdims=True)
            l = lc if l is None else l + lc
        r = 1.0 / l
        ctx = None
        for c in range(nchunks):
            a = ps[c] * r
            attn_ref[t, :, pl.ds(c * ck, ck)] = a
            vc = v_ref[pl.ds(c * ck, ck), t * dh:(t + 1) * dh]
            pc = jnp.dot(a, vc, preferred_element_type=jnp.float32)
            ctx = pc if ctx is None else ctx + pc
        halves.append(ctx)
    ctx_ref[...] = jnp.concatenate(halves, axis=1)


def _attention(q, k, v, H, dh, bs):
    S, D = q.shape
    hpb = 128 // dh
    grid = (H // hpb, S // bs)
    qspec = pl.BlockSpec((bs, hpb * dh), lambda h, j: (j, h))
    kvspec = pl.BlockSpec((S, hpb * dh), lambda h, j: (0, h))
    return pl.pallas_call(
        functools.partial(_attn_body, scale=1.0 / float(np.sqrt(dh)),
                          nchunks=4, hpb=hpb, dh=dh),
        grid=grid,
        in_specs=[qspec, kvspec, kvspec],
        out_specs=[pl.BlockSpec((hpb, bs, S), lambda h, j: (h, j, 0)),
                   pl.BlockSpec((bs, hpb * dh), lambda h, j: (j, h))],
        out_shape=[jax.ShapeDtypeStruct((H, S, S), jnp.float32),
                   jax.ShapeDtypeStruct((S, D), jnp.float32)],
        compiler_params=pltpu.CompilerParams(
            dimension_semantics=("parallel", "arbitrary")),
    )(q, k, v)



def _proj_body(ctx_ref, x_ref, wo_ref, bo_ref, g2_ref, b2_ref, wr_ref,
               xmid_ref, xn2_ref, slot_ref, gate_ref, valid_ref, cnt_ref,
               *, cap, trash):
    j = pl.program_id(0)

    @pl.when(j == 0)
    def _():
        cnt_ref[...] = jnp.zeros_like(cnt_ref)

    xm = (jnp.dot(ctx_ref[...], wo_ref[...], preferred_element_type=jnp.float32)
          + bo_ref[...] + x_ref[...])
    xmid_ref[...] = xm
    m = jnp.mean(xm, axis=1, keepdims=True)
    var = jnp.mean((xm - m) ** 2, axis=1, keepdims=True)
    xn2 = (xm - m) / jnp.sqrt(var + _EPS) * g2_ref[...] + b2_ref[...]
    xn2_ref[...] = xn2
    lg = jnp.dot(xn2, wr_ref[...], preferred_element_type=jnp.float32)
    bt, E = lg.shape
    mx = jnp.max(lg, axis=1, keepdims=True)
    p = jnp.exp(lg - mx)
    psum = jnp.sum(p, axis=1, keepdims=True)
    gate_ref[...] = 1.0 / psum
    iota_e = lax.broadcasted_iota(jnp.int32, (bt, E), 1)
    idx = jnp.min(jnp.where(lg == mx, iota_e, E), axis=1, keepdims=True)
    oh = (iota_e == idx).astype(jnp.float32)
    r = lax.broadcasted_iota(jnp.int32, (bt, bt), 0)
    c = lax.broadcasted_iota(jnp.int32, (bt, bt), 1)
    tri = (c <= r).astype(jnp.float32)
    inc = jnp.dot(tri, oh, preferred_element_type=jnp.float32) + cnt_ref[...]
    pos = jnp.sum(inc * oh, axis=1, keepdims=True) - 1.0
    cnt_ref[...] = cnt_ref[...] + jnp.sum(oh, axis=0, keepdims=True)
    pos_i = pos.astype(jnp.int32)
    valid = pos_i < cap
    slot_ref[...] = jnp.where(valid, idx * cap + pos_i, trash)
    valid_ref[...] = valid.astype(jnp.float32)


def _proj_ln2_route(ctx, x, Wo, bo, g2, b2, Wr, cap, trash, bs):
    S, D = x.shape
    E = Wr.shape[1]
    grid = (S // bs,)
    row = pl.BlockSpec((bs, D), lambda i: (i, 0))
    col = pl.BlockSpec((bs, 1), lambda i: (i, 0))
    return pl.pallas_call(
        functools.partial(_proj_body, cap=cap, trash=trash),
        grid=grid,
        in_specs=[row, row,
                  pl.BlockSpec((D, D), lambda i: (0, 0)),
                  pl.BlockSpec((1, D), lambda i: (0, 0)),
                  pl.BlockSpec((1, D), lambda i: (0, 0)),
                  pl.BlockSpec((1, D), lambda i: (0, 0)),
                  pl.BlockSpec((D, E), lambda i: (0, 0))],
        out_specs=[row, row, col, col, col],
        out_shape=[jax.ShapeDtypeStruct((S, D), jnp.float32),
                   jax.ShapeDtypeStruct((S, D), jnp.float32),
                   jax.ShapeDtypeStruct((S, 1), jnp.int32),
                   jax.ShapeDtypeStruct((S, 1), jnp.float32),
                   jax.ShapeDtypeStruct((S, 1), jnp.float32)],
        scratch_shapes=[pltpu.VMEM((1, E), jnp.float32)],
        compiler_params=pltpu.CompilerParams(
            dimension_semantics=("arbitrary",)),
    )(ctx, x, Wo, bo, g2, b2, Wr)



def _sc_mesh():
    return plsc.VectorSubcoreMesh(core_axis_name="c", subcore_axis_name="s")


_SC_NB = 2


def _sc_scatter(xn2, slots2, nrows):
    T, D = xn2.shape
    nw = _SC_NC * _SC_NS
    bpw = T // nw
    bpc = bpw // _SC_NB

    @functools.partial(
        pl.kernel, mesh=_sc_mesh(),
        out_type=jax.ShapeDtypeStruct((nrows, D), jnp.float32),
        scratch_types=[pltpu.VMEM((_SC_NB, bpc), jnp.int32)]
        + [pltpu.VMEM((bpc, D), jnp.float32)] * _SC_NB
        + [pltpu.SemaphoreType.DMA] * (2 * _SC_NB))
    def k(x_hbm, idx_hbm, out_hbm, idx_v, *bufs_sems):
        bufs = bufs_sems[:_SC_NB]
        sems = bufs_sems[_SC_NB:]
        wid = lax.axis_index("s") * _SC_NC + lax.axis_index("c")
        base = wid * bpw
        pltpu.sync_copy(idx_hbm.at[wid], idx_v)
        reads = [pltpu.async_copy(x_hbm.at[pl.ds(base + c * bpc, bpc)],
                                  bufs[c], sems[c])
                 for c in range(_SC_NB)]
        writes = []
        for c in range(_SC_NB):
            reads[c].wait()
            writes.append(pltpu.async_copy(bufs[c], out_hbm.at[idx_v.at[c]],
                                           sems[_SC_NB + c]))
        for w in writes:
            w.wait()

    return k(xn2, slots2)


def _sc_gather(table, slots2, T):
    _, D = table.shape
    nw = _SC_NC * _SC_NS
    bpw = T // nw
    bpc = bpw // _SC_NB

    @functools.partial(
        pl.kernel, mesh=_sc_mesh(),
        out_type=jax.ShapeDtypeStruct((T, D), jnp.float32),
        scratch_types=[pltpu.VMEM((_SC_NB, bpc), jnp.int32)]
        + [pltpu.VMEM((bpc, D), jnp.float32)] * _SC_NB
        + [pltpu.SemaphoreType.DMA] * (2 * _SC_NB))
    def k(tab_hbm, idx_hbm, out_hbm, idx_v, *bufs_sems):
        bufs = bufs_sems[:_SC_NB]
        sems = bufs_sems[_SC_NB:]
        wid = lax.axis_index("s") * _SC_NC + lax.axis_index("c")
        base = wid * bpw
        pltpu.sync_copy(idx_hbm.at[wid], idx_v)
        reads = [pltpu.async_copy(tab_hbm.at[idx_v.at[c]], bufs[c], sems[c])
                 for c in range(_SC_NB)]
        writes = []
        for c in range(_SC_NB):
            reads[c].wait()
            writes.append(
                pltpu.async_copy(bufs[c],
                                 out_hbm.at[pl.ds(base + c * bpc, bpc)],
                                 sems[_SC_NB + c]))
        for w in writes:
            w.wait()

    return k(table, slots2)



def _ffn_body(a_ref, w1_ref, b1_ref, w2_ref, b2_ref, o_ref):
    fc = pl.program_id(1)
    a = a_ref[...]
    h = jnp.maximum(
        jnp.dot(a, w1_ref[0], preferred_element_type=jnp.float32) + b1_ref[0],
        0.0)
    part = jnp.dot(h, w2_ref[0], preferred_element_type=jnp.float32)

    @pl.when(fc == 0)
    def _():
        o_ref[...] = part + b2_ref[0]

    @pl.when(fc != 0)
    def _():
        o_ref[...] += part


def _expert_ffn(ebuf, W1, b1, W2, b2, cap, nf):
    E, D, F = W1.shape
    nrows = ebuf.shape[0]
    fch = F // nf
    grid = (E, nf)
    return pl.pallas_call(
        _ffn_body,
        grid=grid,
        in_specs=[pl.BlockSpec((cap, D), lambda e, fc: (e, 0)),
                  pl.BlockSpec((1, D, fch), lambda e, fc: (e, 0, fc)),
                  pl.BlockSpec((1, 1, fch), lambda e, fc: (e, 0, fc)),
                  pl.BlockSpec((1, fch, D), lambda e, fc: (e, fc, 0)),
                  pl.BlockSpec((1, 1, D), lambda e, fc: (e, 0, 0))],
        out_specs=pl.BlockSpec((cap, D), lambda e, fc: (e, 0)),
        out_shape=jax.ShapeDtypeStruct((nrows, D), jnp.float32),
        compiler_params=pltpu.CompilerParams(
            dimension_semantics=("parallel", "arbitrary")),
    )(ebuf, W1, b1.reshape(E, 1, F), W2, b2.reshape(E, 1, D))



def _final_body(xmid_ref, g_ref, gate_ref, valid_ref, out_ref):
    y = jnp.where(valid_ref[...] > 0.0, gate_ref[...] * g_ref[...], 0.0)
    out_ref[...] = xmid_ref[...] + y


def _final(x_mid, g, gate, valid, bs):
    S, D = x_mid.shape
    grid = (S // bs,)
    row = pl.BlockSpec((bs, D), lambda i: (i, 0))
    col = pl.BlockSpec((bs, 1), lambda i: (i, 0))
    return pl.pallas_call(
        _final_body,
        grid=grid,
        in_specs=[row, row, col, col],
        out_specs=row,
        out_shape=jax.ShapeDtypeStruct((S, D), jnp.float32),
        compiler_params=pltpu.CompilerParams(
            dimension_semantics=("parallel",)),
    )(x_mid, g, gate, valid)



def kernel(x, ln1_g, ln1_b, Wq, bq, Wk, bk, Wv, bv, Wo, bo, ln2_g, ln2_b,
           Wr, W1, b1, W2, b2):
    B, S, D = x.shape
    E, _, F = W1.shape
    H = 12
    dh = D // H
    T = B * S
    cap = int(np.ceil(1.25 * T / E))
    trash = E * cap
    nrows = E * cap + cap

    x2 = x.reshape(T, D)
    pe = _pos_encoding_np(S, D)
    r1 = lambda a: a.reshape(1, -1)

    q, k, v = _qkv(x2, pe, r1(ln1_g), r1(ln1_b), Wq, r1(bq), Wk, r1(bk),
                   Wv, r1(bv), bs=512)
    attn, ctx = _attention(q, k, v, H, dh, bs=512)
    x_mid, xn2, slots, gate, valid = _proj_ln2_route(
        ctx, x2, Wo, r1(bo), r1(ln2_g), r1(ln2_b), Wr, cap, trash, bs=512)
    nw = _SC_NC * _SC_NS
    slots2 = slots.reshape(nw, _SC_NB, T // (nw * _SC_NB))
    ebuf = _sc_scatter(xn2, slots2, nrows)
    exp_out = _expert_ffn(ebuf, W1, b1, W2, b2, cap, nf=2)
    g = _sc_gather(exp_out, slots2, T)
    out = _final(x_mid, g, gate, valid, bs=512)
    return (out.reshape(B, S, D), attn.reshape(B, H, S, S), None)

# --- scband reference (transcript-rebuilt; emitter-appended) ---
"""Pipeline reference for scband-switch-transformer-block-47132971106720 (READ-ONLY COPY).

The authoritative reference and input builder live on the scoring server;
editing this copy changes nothing except your own understanding.
"""

import jax, jax.numpy as jnp
import numpy as np

B, S, D, H, E, F = 1, 2048, 768, 12, 64, 3072
CAP_FACTOR = 1.25

def _ln(x, g, b, eps=1e-5):
    m = jnp.mean(x, axis=-1, keepdims=True)
    v = jnp.var(x, axis=-1, keepdims=True)
    return (x - m) / jnp.sqrt(v + eps) * g + b

def _pos_encoding(S, D):
    pos = np.arange(S, dtype=np.float32)[:, None]
    i = np.arange(D, dtype=np.float32)[None, :]
    angle = pos / np.power(10000.0, (2.0 * np.floor(i / 2.0)) / D)
    pe = np.where((np.arange(D) % 2) == 0, np.sin(angle), np.cos(angle))
    return jnp.asarray(pe, dtype=jnp.float32)


def setup_inputs(seed: int = 0) -> dict:
    key = jax.random.key(seed)
    ks = jax.random.split(key, 24)
    s = 0.02
    inp = {}
    inp['x'] = jax.random.normal(ks[0], (B, S, D), dtype=jnp.float32)
    inp['ln1_g'] = jnp.ones((D,), jnp.float32)
    inp['ln1_b'] = jnp.zeros((D,), jnp.float32)
    inp['Wq'] = jax.random.normal(ks[1], (D, D), jnp.float32) * s
    inp['bq'] = jnp.zeros((D,), jnp.float32)
    inp['Wk'] = jax.random.normal(ks[2], (D, D), jnp.float32) * s
    inp['bk'] = jnp.zeros((D,), jnp.float32)
    inp['Wv'] = jax.random.normal(ks[3], (D, D), jnp.float32) * s
    inp['bv'] = jnp.zeros((D,), jnp.float32)
    inp['Wo'] = jax.random.normal(ks[4], (D, D), jnp.float32) * s
    inp['bo'] = jnp.zeros((D,), jnp.float32)
    inp['ln2_g'] = jnp.ones((D,), jnp.float32)
    inp['ln2_b'] = jnp.zeros((D,), jnp.float32)
    inp['Wr'] = jax.random.normal(ks[5], (D, E), jnp.float32) * s
    inp['W1'] = jax.random.normal(ks[6], (E, D, F), jnp.float32) * s
    inp['b1'] = jnp.zeros((E, F), jnp.float32)
    inp['W2'] = jax.random.normal(ks[7], (E, F, D), jnp.float32) * s
    inp['b2'] = jnp.zeros((E, D), jnp.float32)
    return inp


def reference(x, ln1_g, ln1_b, Wq, bq, Wk, bk, Wv, bv, Wo, bo, ln2_g, ln2_b, Wr, W1, b1, W2, b2):
    Bx, Sx, Dx = x.shape
    dh = Dx // H
    # --- self-attention module (pre-LN MHSA with sinusoidal pos encoding) ---
    xn = _ln(x, ln1_g, ln1_b) + _pos_encoding(Sx, Dx)[None, :, :]
    q = (xn @ Wq + bq).reshape(Bx, Sx, H, dh).transpose(0, 2, 1, 3)
    k = (xn @ Wk + bk).reshape(Bx, Sx, H, dh).transpose(0, 2, 1, 3)
    v = (xn @ Wv + bv).reshape(Bx, Sx, H, dh).transpose(0, 2, 1, 3)
    scores = (q @ k.transpose(0, 1, 3, 2)) / jnp.sqrt(jnp.asarray(dh, jnp.float32))
    attn = jax.nn.softmax(scores, axis=-1)
    x_att = (attn @ v).transpose(0, 2, 1, 3).reshape(Bx, Sx, Dx) @ Wo + bo
    x = x + x_att
    # --- Switch FFN (top-1 routing with capacity) ---
    xn2 = _ln(x, ln2_g, ln2_b).reshape(Bx * Sx, Dx)
    T = Bx * Sx
    logits = xn2 @ Wr
    probs = jax.nn.softmax(logits, axis=-1)
    gate = jnp.max(probs, axis=-1)
    idx = jnp.argmax(probs, axis=-1)
    oh = jax.nn.one_hot(idx, E, dtype=xn2.dtype)
    C = int(np.ceil(CAP_FACTOR * T / E))
    pos = jnp.cumsum(oh, axis=0) - 1.0
    pos_i = pos.astype(jnp.int32)
    dispatch = oh[:, :, None] * jax.nn.one_hot(pos_i, C, dtype=xn2.dtype)
    combine = dispatch * gate[:, None, None]
    exp_in = jnp.einsum('tec,td->ecd', dispatch, xn2)
    h = jax.nn.relu(jnp.einsum('ecd,edf->ecf', exp_in, W1) + b1[:, None, :])
    exp_out = jnp.einsum('ecf,efd->ecd', h, W2) + b2[:, None, :]
    y = jnp.einsum('tec,ecd->td', combine, exp_out).reshape(Bx, Sx, Dx)
    x = x + y
    return (x, attn, None)

if __name__ == "__main__":
    import jax
    _d = setup_inputs()
    print(jax.jit(kernel)(*tuple(_d.values())))

</pallas_src>

<mosaic_0001>
#map = affine_map<(d0, d1) -> (0, 0)>
#map1 = affine_map<(d0, d1) -> (0, 0, 0)>
module attributes {stable_mosaic.version = 14 : i64} {
  func.func @k(%arg0: i32, %arg1: i32, %arg2: memref<2048x768xf32, #tpu.memory_space<hbm>>, %arg3: memref<32x2x32xi32, #tpu.memory_space<hbm>>, %arg4: memref<2600x768xf32, #tpu.memory_space<hbm>>, %arg5: memref<2x32xi32, #tpu.memory_space<vmem>>, %arg6: memref<32x768xf32, #tpu.memory_space<vmem>>, %arg7: memref<32x768xf32, #tpu.memory_space<vmem>>, %arg8: memref<!tpu.dma_semaphore, #tpu.memory_space<semaphore_mem>>, %arg9: memref<!tpu.dma_semaphore, #tpu.memory_space<semaphore_mem>>, %arg10: memref<!tpu.dma_semaphore, #tpu.memory_space<semaphore_mem>>, %arg11: memref<!tpu.dma_semaphore, #tpu.memory_space<semaphore_mem>>) attributes {dimension_semantics = [#tpu.dimension_semantics<core_parallel>, #tpu.dimension_semantics<subcore_parallel>], iteration_bounds = array<i64: 2, 16>, scalar_prefetch = 0 : i64, scratch_operands = 7 : i64, tpu.core_type = #tpu.core_type<sc_vector_subcore>, window_params = [{transform_indices = #map}, {transform_indices = #map1}, {transform_indices = #map}]} {
    %mul3A = arith.constant 2 : i32
    %mul3A_0 = arith.muli %arg1, %mul3A : i32
    %add3A = arith.addi %mul3A_0, %arg0 : i32
    %mul3A_1 = arith.constant 64 : i32
    %mul3A_2 = arith.muli %add3A, %mul3A_1 : i32
    "tpu.region"() ({
      %run_scoped3A = tpu.sem_alloc : memref<!tpu.dma_semaphore, #tpu.memory_space<semaphore_mem>>
      %dma_start3A_49 = arith.constant 0 : i32
      %dma_start3A_50 = arith.constant 0 : i32
      %dma_start3A_51 = tpu.memref_slice %arg3[%add3A, %dma_start3A_49, %dma_start3A_50] : memref<32x2x32xi32, #tpu.memory_space<hbm>> -> memref<1x2x32xi32, #tpu.memory_space<hbm>>
      %dma_start3A_52 = tpu.memref_squeeze %dma_start3A_51 : memref<1x2x32xi32, #tpu.memory_space<hbm>> -> memref<2x32xi32, #tpu.memory_space<hbm>>
      %dma_start3A_53 = arith.constant 0 : i32
      %dma_start3A_54 = arith.constant 0 : i32
      %dma_start3A_55 = tpu.memref_slice %arg3[%add3A, %dma_start3A_53, %dma_start3A_54] : memref<32x2x32xi32, #tpu.memory_space<hbm>> -> memref<1x2x32xi32, #tpu.memory_space<hbm>>
      %dma_start3A_56 = tpu.memref_squeeze %dma_start3A_55 : memref<1x2x32xi32, #tpu.memory_space<hbm>> -> memref<2x32xi32, #tpu.memory_space<hbm>>
      tpu.enqueue_dma source(%dma_start3A_56 : memref<2x32xi32, #tpu.memory_space<hbm>>) target(%arg5 : memref<2x32xi32, #tpu.memory_space<vmem>>) target_semaphore(%run_scoped3A : memref<!tpu.dma_semaphore, #tpu.memory_space<semaphore_mem>>)
      %dma_wait3A_57 = arith.constant 0 : i32
      %dma_wait3A_58 = arith.constant 0 : i32
      %dma_wait3A_59 = tpu.memref_slice %arg3[%add3A, %dma_wait3A_57, %dma_wait3A_58] : memref<32x2x32xi32, #tpu.memory_space<hbm>> -> memref<1x2x32xi32, #tpu.memory_space<hbm>>
      %dma_wait3A_60 = tpu.memref_squeeze %dma_wait3A_59 : memref<1x2x32xi32, #tpu.memory_space<hbm>> -> memref<2x32xi32, #tpu.memory_space<hbm>>
      %dma_wait3A_61 = arith.constant 0 : i32
      %dma_wait3A_62 = arith.constant 0 : i32
      %dma_wait3A_63 = tpu.memref_slice %arg3[%add3A, %dma_wait3A_61, %dma_wait3A_62] : memref<32x2x32xi32, #tpu.memory_space<hbm>> -> memref<1x2x32xi32, #tpu.memory_space<hbm>>
      %dma_wait3A_64 = tpu.memref_squeeze %dma_wait3A_63 : memref<1x2x32xi32, #tpu.memory_space<hbm>> -> memref<2x32xi32, #tpu.memory_space<hbm>>
      tpu.wait_dma2 semaphore(%run_scoped3A : memref<!tpu.dma_semaphore, #tpu.memory_space<semaphore_mem>>) src(%dma_wait3A_64 : memref<2x32xi32, #tpu.memory_space<hbm>>) dst(%arg5 : memref<2x32xi32, #tpu.memory_space<vmem>>)
      tpu.yield
    }) : () -> ()
    %add3A_3 = arith.constant 0 : i32
    %add3A_4 = arith.addi %mul3A_2, %add3A_3 : i32
    %dma_start3A = arith.constant 0 : i32
    %dma_start3A_5 = tpu.memref_slice %arg2[%add3A_4, %dma_start3A] : memref<2048x768xf32, #tpu.memory_space<hbm>> -> memref<32x768xf32, #tpu.memory_space<hbm>>
    %dma_start3A_6 = arith.constant 0 : i32
    %dma_start3A_7 = tpu.memref_slice %arg2[%add3A_4, %dma_start3A_6] : memref<2048x768xf32, #tpu.memory_space<hbm>> -> memref<32x768xf32, #tpu.memory_space<hbm>>
    tpu.enqueue_dma source(%dma_start3A_7 : memref<32x768xf32, #tpu.memory_space<hbm>>) target(%arg6 : memref<32x768xf32, #tpu.memory_space<vmem>>) target_semaphore(%arg8 : memref<!tpu.dma_semaphore, #tpu.memory_space<semaphore_mem>>)
    %add3A_8 = arith.constant 32 : i32
    %add3A_9 = arith.addi %mul3A_2, %add3A_8 : i32
    %dma_start3A_10 = arith.constant 0 : i32
    %dma_start3A_11 = tpu.memref_slice %arg2[%add3A_9, %dma_start3A_10] : memref<2048x768xf32, #tpu.memory_space<hbm>> -> memref<32x768xf32, #tpu.memory_space<hbm>>
    %dma_start3A_12 = arith.constant 0 : i32
    %dma_start3A_13 = tpu.memref_slice %arg2[%add3A_9, %dma_start3A_12] : memref<2048x768xf32, #tpu.memory_space<hbm>> -> memref<32x768xf32, #tpu.memory_space<hbm>>
    tpu.enqueue_dma source(%dma_start3A_13 : memref<32x768xf32, #tpu.memory_space<hbm>>) target(%arg7 : memref<32x768xf32, #tpu.memory_space<vmem>>) target_semaphore(%arg9 : memref<!tpu.dma_semaphore, #tpu.memory_space<semaphore_mem>>)
    %dma_wait3A = arith.constant 0 : i32
    %dma_wait3A_14 = tpu.memref_slice %arg2[%add3A_4, %dma_wait3A] : memref<2048x768xf32, #tpu.memory_space<hbm>> -> memref<32x768xf32, #tpu.memory_space<hbm>>
    %dma_wait3A_15 = arith.constant 0 : i32
    %dma_wait3A_16 = tpu.memref_slice %arg2[%add3A_4, %dma_wait3A_15] : memref<2048x768xf32, #tpu.memory_space<hbm>> -> memref<32x768xf32, #tpu.memory_space<hbm>>
    tpu.wait_dma2 semaphore(%arg8 : memref<!tpu.dma_semaphore, #tpu.memory_space<semaphore_mem>>) src(%dma_wait3A_16 : memref<32x768xf32, #tpu.memory_space<hbm>>) dst(%arg6 : memref<32x768xf32, #tpu.memory_space<vmem>>)
    %dma_start3A_17 = arith.constant 0 : i32
    %dma_start3A_18 = arith.constant 0 : i32
    %dma_start3A_19 = tpu.memref_slice %arg5[%dma_start3A_17, %dma_start3A_18] : memref<2x32xi32, #tpu.memory_space<vmem>> -> memref<1x32xi32, #tpu.memory_space<vmem>>
    %dma_start3A_20 = tpu.memref_squeeze %dma_start3A_19 : memref<1x32xi32, #tpu.memory_space<vmem>> -> memref<32xi32, #tpu.memory_space<vmem>>
    %dma_start3A_21 = arith.constant 0 : i32
    %dma_start3A_22 = arith.constant 0 : i32
    %dma_start3A_23 = tpu.memref_slice %arg4[%dma_start3A_21, %dma_start3A_22] : memref<2600x768xf32, #tpu.memory_space<hbm>> -> memref<2600x768xf32, #tpu.memory_space<hbm>>
    tpu.enqueue_indirect_dma source(%arg6 : memref<32x768xf32, #tpu.memory_space<vmem>>) target(%dma_start3A_23 : memref<2600x768xf32, #tpu.memory_space<hbm>>) offsets(%dma_start3A_20 : memref<32xi32, #tpu.memory_space<vmem>>) semaphore(%arg10 : memref<!tpu.dma_semaphore, #tpu.memory_space<semaphore_mem>>)
    %dma_wait3A_24 = arith.constant 0 : i32
    %dma_wait3A_25 = tpu.memref_slice %arg2[%add3A_9, %dma_wait3A_24] : memref<2048x768xf32, #tpu.memory_space<hbm>> -> memref<32x768xf32, #tpu.memory_space<hbm>>
    %dma_wait3A_26 = arith.constant 0 : i32
    %dma_wait3A_27 = tpu.memref_slice %arg2[%add3A_9, %dma_wait3A_26] : memref<2048x768xf32, #tpu.memory_space<hbm>> -> memref<32x768xf32, #tpu.memory_space<hbm>>
    tpu.wait_dma2 semaphore(%arg9 : memref<!tpu.dma_semaphore, #tpu.memory_space<semaphore_mem>>) src(%dma_wait3A_27 : memref<32x768xf32, #tpu.memory_space<hbm>>) dst(%arg7 : memref<32x768xf32, #tpu.memory_space<vmem>>)
    %dma_start3A_28 = arith.constant 1 : i32
    %dma_start3A_29 = arith.constant 0 : i32
    %dma_start3A_30 = tpu.memref_slice %arg5[%dma_start3A_28, %dma_start3A_29] : memref<2x32xi32, #tpu.memory_space<vmem>> -> memref<1x32xi32, #tpu.memory_space<vmem>>
    %dma_start3A_31 = tpu.memref_squeeze %dma_start3A_30 : memref<1x32xi32, #tpu.memory_space<vmem>> -> memref<32xi32, #tpu.memory_space<vmem>>
    %dma_start3A_32 = arith.constant 0 : i32
    %dma_start3A_33 = arith.constant 0 : i32
    %dma_start3A_34 = tpu.memref_slice %arg4[%dma_start3A_32, %dma_start3A_33] : memref<2600x768xf32, #tpu.memory_space<hbm>> -> memref<2600x768xf32, #tpu.memory_space<hbm>>
    tpu.enqueue_indirect_dma source(%arg7 : memref<32x768xf32, #tpu.memory_space<vmem>>) target(%dma_start3A_34 : memref<2600x768xf32, #tpu.memory_space<hbm>>) offsets(%dma_start3A_31 : memref<32xi32, #tpu.memory_space<vmem>>) semaphore(%arg11 : memref<!tpu.dma_semaphore, #tpu.memory_space<semaphore_mem>>)
    %dma_wait3A_35 = arith.constant 0 : i32
    %dma_wait3A_36 = arith.constant 0 : i32
    %dma_wait3A_37 = tpu.memref_slice %arg5[%dma_wait3A_35, %dma_wait3A_36] : memref<2x32xi32, #tpu.memory_space<vmem>> -> memref<1x32xi32, #tpu.memory_space<vmem>>
    %dma_wait3A_38 = tpu.memref_squeeze %dma_wait3A_37 : memref<1x32xi32, #tpu.memory_space<vmem>> -> memref<32xi32, #tpu.memory_space<vmem>>
    %dma_wait3A_39 = arith.constant 0 : i32
    %dma_wait3A_40 = arith.constant 0 : i32
    %dma_wait3A_41 = tpu.memref_slice %arg4[%dma_wait3A_39, %dma_wait3A_40] : memref<2600x768xf32, #tpu.memory_space<hbm>> -> memref<2600x768xf32, #tpu.memory_space<hbm>>
    tpu.wait_indirect_dma semaphore(%arg10 : memref<!tpu.dma_semaphore, #tpu.memory_space<semaphore_mem>>) src(%arg6 : memref<32x768xf32, #tpu.memory_space<vmem>>) dst(%dma_wait3A_41 : memref<2600x768xf32, #tpu.memory_space<hbm>>)
    %dma_wait3A_42 = arith.constant 1 : i32
    %dma_wait3A_43 = arith.constant 0 : i32
    %dma_wait3A_44 = tpu.memref_slice %arg5[%dma_wait3A_42, %dma_wait3A_43] : memref<2x32xi32, #tpu.memory_space<vmem>> -> memref<1x32xi32, #tpu.memory_space<vmem>>
    %dma_wait3A_45 = tpu.memref_squeeze %dma_wait3A_44 : memref<1x32xi32, #tpu.memory_space<vmem>> -> memref<32xi32, #tpu.memory_space<vmem>>
    %dma_wait3A_46 = arith.constant 0 : i32
    %dma_wait3A_47 = arith.constant 0 : i32
    %dma_wait3A_48 = tpu.memref_slice %arg4[%dma_wait3A_46, %dma_wait3A_47] : memref<2600x768xf32, #tpu.memory_space<hbm>> -> memref<2600x768xf32, #tpu.memory_space<hbm>>
    tpu.wait_indirect_dma semaphore(%arg11 : memref<!tpu.dma_semaphore, #tpu.memory_space<semaphore_mem>>) src(%arg7 : memref<32x768xf32, #tpu.memory_space<vmem>>) dst(%dma_wait3A_48 : memref<2600x768xf32, #tpu.memory_space<hbm>>)
    return
  }
}

#map = affine_map<(d0, d1) -> (0, 0)>
#map1 = affine_map<(d0, d1) -> (0, 0, 0)>
module attributes {stable_mosaic.version = 14 : i64} {
  func.func @k(%arg0: i32, %arg1: i32, %arg2: memref<2600x768xf32, #tpu.memory_space<hbm>>, %arg3: memref<32x2x32xi32, #tpu.memory_space<hbm>>, %arg4: memref<2048x768xf32, #tpu.memory_space<hbm>>, %arg5: memref<2x32xi32, #tpu.memory_space<vmem>>, %arg6: memref<32x768xf32, #tpu.memory_space<vmem>>, %arg7: memref<32x768xf32, #tpu.memory_space<vmem>>, %arg8: memref<!tpu.dma_semaphore, #tpu.memory_space<semaphore_mem>>, %arg9: memref<!tpu.dma_semaphore, #tpu.memory_space<semaphore_mem>>, %arg10: memref<!tpu.dma_semaphore, #tpu.memory_space<semaphore_mem>>, %arg11: memref<!tpu.dma_semaphore, #tpu.memory_space<semaphore_mem>>) attributes {dimension_semantics = [#tpu.dimension_semantics<core_parallel>, #tpu.dimension_semantics<subcore_parallel>], iteration_bounds = array<i64: 2, 16>, scalar_prefetch = 0 : i64, scratch_operands = 7 : i64, tpu.core_type = #tpu.core_type<sc_vector_subcore>, window_params = [{transform_indices = #map}, {transform_indices = #map1}, {transform_indices = #map}]} {
    %mul3A = arith.constant 2 : i32
    %mul3A_0 = arith.muli %arg1, %mul3A : i32
    %add3A = arith.addi %mul3A_0, %arg0 : i32
    %mul3A_1 = arith.constant 64 : i32
    %mul3A_2 = arith.muli %add3A, %mul3A_1 : i32
    "tpu.region"() ({
      %run_scoped3A = tpu.sem_alloc : memref<!tpu.dma_semaphore, #tpu.memory_space<semaphore_mem>>
      %dma_start3A_49 = arith.constant 0 : i32
      %dma_start3A_50 = arith.constant 0 : i32
      %dma_start3A_51 = tpu.memref_slice %arg3[%add3A, %dma_start3A_49, %dma_start3A_50] : memref<32x2x32xi32, #tpu.memory_space<hbm>> -> memref<1x2x32xi32, #tpu.memory_space<hbm>>
      %dma_start3A_52 = tpu.memref_squeeze %dma_start3A_51 : memref<1x2x32xi32, #tpu.memory_space<hbm>> -> memref<2x32xi32, #tpu.memory_space<hbm>>
      %dma_start3A_53 = arith.constant 0 : i32
      %dma_start3A_54 = arith.constant 0 : i32
      %dma_start3A_55 = tpu.memref_slice %arg3[%add3A, %dma_start3A_53, %dma_start3A_54] : memref<32x2x32xi32, #tpu.memory_space<hbm>> -> memref<1x2x32xi32, #tpu.memory_space<hbm>>
      %dma_start3A_56 = tpu.memref_squeeze %dma_start3A_55 : memref<1x2x32xi32, #tpu.memory_space<hbm>> -> memref<2x32xi32, #tpu.memory_space<hbm>>
      tpu.enqueue_dma source(%dma_start3A_56 : memref<2x32xi32, #tpu.memory_space<hbm>>) target(%arg5 : memref<2x32xi32, #tpu.memory_space<vmem>>) target_semaphore(%run_scoped3A : memref<!tpu.dma_semaphore, #tpu.memory_space<semaphore_mem>>)
      %dma_wait3A_57 = arith.constant 0 : i32
      %dma_wait3A_58 = arith.constant 0 : i32
      %dma_wait3A_59 = tpu.memref_slice %arg3[%add3A, %dma_wait3A_57, %dma_wait3A_58] : memref<32x2x32xi32, #tpu.memory_space<hbm>> -> memref<1x2x32xi32, #tpu.memory_space<hbm>>
      %dma_wait3A_60 = tpu.memref_squeeze %dma_wait3A_59 : memref<1x2x32xi32, #tpu.memory_space<hbm>> -> memref<2x32xi32, #tpu.memory_space<hbm>>
      %dma_wait3A_61 = arith.constant 0 : i32
      %dma_wait3A_62 = arith.constant 0 : i32
      %dma_wait3A_63 = tpu.memref_slice %arg3[%add3A, %dma_wait3A_61, %dma_wait3A_62] : memref<32x2x32xi32, #tpu.memory_space<hbm>> -> memref<1x2x32xi32, #tpu.memory_space<hbm>>
      %dma_wait3A_64 = tpu.memref_squeeze %dma_wait3A_63 : memref<1x2x32xi32, #tpu.memory_space<hbm>> -> memref<2x32xi32, #tpu.memory_space<hbm>>
      tpu.wait_dma2 semaphore(%run_scoped3A : memref<!tpu.dma_semaphore, #tpu.memory_space<semaphore_mem>>) src(%dma_wait3A_64 : memref<2x32xi32, #tpu.memory_space<hbm>>) dst(%arg5 : memref<2x32xi32, #tpu.memory_space<vmem>>)
      tpu.yield
    }) : () -> ()
    %dma_start3A = arith.constant 0 : i32
    %dma_start3A_3 = arith.constant 0 : i32
    %dma_start3A_4 = tpu.memref_slice %arg5[%dma_start3A, %dma_start3A_3] : memref<2x32xi32, #tpu.memory_space<vmem>> -> memref<1x32xi32, #tpu.memory_space<vmem>>
    %dma_start3A_5 = tpu.memref_squeeze %dma_start3A_4 : memref<1x32xi32, #tpu.memory_space<vmem>> -> memref<32xi32, #tpu.memory_space<vmem>>
    %dma_start3A_6 = arith.constant 0 : i32
    %dma_start3A_7 = arith.constant 0 : i32
    %dma_start3A_8 = tpu.memref_slice %arg2[%dma_start3A_6, %dma_start3A_7] : memref<2600x768xf32, #tpu.memory_space<hbm>> -> memref<2600x768xf32, #tpu.memory_space<hbm>>
    tpu.enqueue_indirect_dma source(%dma_start3A_8 : memref<2600x768xf32, #tpu.memory_space<hbm>>) target(%arg6 : memref<32x768xf32, #tpu.memory_space<vmem>>) offsets(%dma_start3A_5 : memref<32xi32, #tpu.memory_space<vmem>>) semaphore(%arg8 : memref<!tpu.dma_semaphore, #tpu.memory_space<semaphore_mem>>)
    %dma_start3A_9 = arith.constant 1 : i32
    %dma_start3A_10 = arith.constant 0 : i32
    %dma_start3A_11 = tpu.memref_slice %arg5[%dma_start3A_9, %dma_start3A_10] : memref<2x32xi32, #tpu.memory_space<vmem>> -> memref<1x32xi32, #tpu.memory_space<vmem>>
    %dma_start3A_12 = tpu.memref_squeeze %dma_start3A_11 : memref<1x32xi32, #tpu.memory_space<vmem>> -> memref<32xi32, #tpu.memory_space<vmem>>
    %dma_start3A_13 = arith.constant 0 : i32
    %dma_start3A_14 = arith.constant 0 : i32
    %dma_start3A_15 = tpu.memref_slice %arg2[%dma_start3A_13, %dma_start3A_14] : memref<2600x768xf32, #tpu.memory_space<hbm>> -> memref<2600x768xf32, #tpu.memory_space<hbm>>
    tpu.enqueue_indirect_dma source(%dma_start3A_15 : memref<2600x768xf32, #tpu.memory_space<hbm>>) target(%arg7 : memref<32x768xf32, #tpu.memory_space<vmem>>) offsets(%dma_start3A_12 : memref<32xi32, #tpu.memory_space<vmem>>) semaphore(%arg9 : memref<!tpu.dma_semaphore, #tpu.memory_space<semaphore_mem>>)
    %dma_wait3A = arith.constant 0 : i32
    %dma_wait3A_16 = arith.constant 0 : i32
    %dma_wait3A_17 = tpu.memref_slice %arg5[%dma_wait3A, %dma_wait3A_16] : memref<2x32xi32, #tpu.memory_space<vmem>> -> memref<1x32xi32, #tpu.memory_space<vmem>>
    %dma_wait3A_18 = tpu.memref_squeeze %dma_wait3A_17 : memref<1x32xi32, #tpu.memory_space<vmem>> -> memref<32xi32, #tpu.memory_space<vmem>>
    %dma_wait3A_19 = arith.constant 0 : i32
    %dma_wait3A_20 = arith.constant 0 : i32
    %dma_wait3A_21 = tpu.memref_slice %arg2[%dma_wait3A_19, %dma_wait3A_20] : memref<2600x768xf32, #tpu.memory_space<hbm>> -> memref<2600x768xf32, #tpu.memory_space<hbm>>
    tpu.wait_indirect_dma semaphore(%arg8 : memref<!tpu.dma_semaphore, #tpu.memory_space<semaphore_mem>>) src(%dma_wait3A_21 : memref<2600x768xf32, #tpu.memory_space<hbm>>) dst(%arg6 : memref<32x768xf32, #tpu.memory_space<vmem>>)
    %add3A_22 = arith.constant 0 : i32
    %add3A_23 = arith.addi %mul3A_2, %add3A_22 : i32
    %dma_start3A_24 = arith.constant 0 : i32
    %dma_start3A_25 = tpu.memref_slice %arg4[%add3A_23, %dma_start3A_24] : memref<2048x768xf32, #tpu.memory_space<hbm>> -> memref<32x768xf32, #tpu.memory_space<hbm>>
    %dma_start3A_26 = arith.constant 0 : i32
    %dma_start3A_27 = tpu.memref_slice %arg4[%add3A_23, %dma_start3A_26] : memref<2048x768xf32, #tpu.memory_space<hbm>> -> memref<32x768xf32, #tpu.memory_space<hbm>>
    tpu.enqueue_dma source(%arg6 : memref<32x768xf32, #tpu.memory_space<vmem>>) target(%dma_start3A_27 : memref<32x768xf32, #tpu.memory_space<hbm>>) target_semaphore(%arg10 : memref<!tpu.dma_semaphore, #tpu.memory_space<semaphore_mem>>)
    %dma_wait3A_28 = arith.constant 1 : i32
    %dma_wait3A_29 = arith.constant 0 : i32
    %dma_wait3A_30 = tpu.memref_slice %arg5[%dma_wait3A_28, %dma_wait3A_29] : memref<2x32xi32, #tpu.memory_space<vmem>> -> memref<1x32xi32, #tpu.memory_space<vmem>>
    %dma_wait3A_31 = tpu.memref_squeeze %dma_wait3A_30 : memref<1x32xi32, #tpu.memory_space<vmem>> -> memref<32xi32, #tpu.memory_space<vmem>>
    %dma_wait3A_32 = arith.constant 0 : i32
    %dma_wait3A_33 = arith.constant 0 : i32
    %dma_wait3A_34 = tpu.memref_slice %arg2[%dma_wait3A_32, %dma_wait3A_33] : memref<2600x768xf32, #tpu.memory_space<hbm>> -> memref<2600x768xf32, #tpu.memory_space<hbm>>
    tpu.wait_indirect_dma semaphore(%arg9 : memref<!tpu.dma_semaphore, #tpu.memory_space<semaphore_mem>>) src(%dma_wait3A_34 : memref<2600x768xf32, #tpu.memory_space<hbm>>) dst(%arg7 : memref<32x768xf32, #tpu.memory_space<vmem>>)
    %add3A_35 = arith.constant 32 : i32
    %add3A_36 = arith.addi %mul3A_2, %add3A_35 : i32
    %dma_start3A_37 = arith.constant 0 : i32
    %dma_start3A_38 = tpu.memref_slice %arg4[%add3A_36, %dma_start3A_37] : memref<2048x768xf32, #tpu.memory_space<hbm>> -> memref<32x768xf32, #tpu.memory_space<hbm>>
    %dma_start3A_39 = arith.constant 0 : i32
    %dma_start3A_40 = tpu.memref_slice %arg4[%add3A_36, %dma_start3A_39] : memref<2048x768xf32, #tpu.memory_space<hbm>> -> memref<32x768xf32, #tpu.memory_space<hbm>>
    tpu.enqueue_dma source(%arg7 : memref<32x768xf32, #tpu.memory_space<vmem>>) target(%dma_start3A_40 : memref<32x768xf32, #tpu.memory_space<hbm>>) target_semaphore(%arg11 : memref<!tpu.dma_semaphore, #tpu.memory_space<semaphore_mem>>)
    %dma_wait3A_41 = arith.constant 0 : i32
    %dma_wait3A_42 = tpu.memref_slice %arg4[%add3A_23, %dma_wait3A_41] : memref<2048x768xf32, #tpu.memory_space<hbm>> -> memref<32x768xf32, #tpu.memory_space<hbm>>
    %dma_wait3A_43 = arith.constant 0 : i32
    %dma_wait3A_44 = tpu.memref_slice %arg4[%add3A_23, %dma_wait3A_43] : memref<2048x768xf32, #tpu.memory_space<hbm>> -> memref<32x768xf32, #tpu.memory_space<hbm>>
    tpu.wait_dma2 semaphore(%arg10 : memref<!tpu.dma_semaphore, #tpu.memory_space<semaphore_mem>>) src(%arg6 : memref<32x768xf32, #tpu.memory_space<vmem>>) dst(%dma_wait3A_44 : memref<32x768xf32, #tpu.memory_space<hbm>>)
    %dma_wait3A_45 = arith.constant 0 : i32
    %dma_wait3A_46 = tpu.memref_slice %arg4[%add3A_36, %dma_wait3A_45] : memref<2048x768xf32, #tpu.memory_space<hbm>> -> memref<32x768xf32, #tpu.memory_space<hbm>>
    %dma_wait3A_47 = arith.constant 0 : i32
    %dma_wait3A_48 = tpu.memref_slice %arg4[%add3A_36, %dma_wait3A_47] : memref<2048x768xf32, #tpu.memory_space<hbm>> -> memref<32x768xf32, #tpu.memory_space<hbm>>
    tpu.wait_dma2 semaphore(%arg11 : memref<!tpu.dma_semaphore, #tpu.memory_space<semaphore_mem>>) src(%arg7 : memref<32x768xf32, #tpu.memory_space<vmem>>) dst(%dma_wait3A_48 : memref<32x768xf32, #tpu.memory_space<hbm>>)
    return
  }
}

module attributes {stable_mosaic.version = 14 : i64} {
  func.func @_qkv_body(%arg0: i32, %arg1: memref<512x768xf32, #tpu.memory_space<vmem>>, %arg2: memref<512x768xf32, #tpu.memory_space<vmem>>, %arg3: memref<1x768xf32, #tpu.memory_space<vmem>>, %arg4: memref<1x768xf32, #tpu.memory_space<vmem>>, %arg5: memref<768x768xf32, #tpu.memory_space<vmem>>, %arg6: memref<1x768xf32, #tpu.memory_space<vmem>>, %arg7: memref<768x768xf32, #tpu.memory_space<vmem>>, %arg8: memref<1x768xf32, #tpu.memory_space<vmem>>, %arg9: memref<768x768xf32, #tpu.memory_space<vmem>>, %arg10: memref<1x768xf32, #tpu.memory_space<vmem>>, %arg11: memref<512x768xf32, #tpu.memory_space<vmem>>, %arg12: memref<512x768xf32, #tpu.memory_space<vmem>>, %arg13: memref<512x768xf32, #tpu.memory_space<vmem>>) attributes {dimension_semantics = [#tpu.dimension_semantics<parallel>], iteration_bounds = array<i64: 4>, scalar_prefetch = 0 : i64, scratch_operands = 0 : i64, tpu.core_type = #tpu.core_type<tc>, window_params = [{transform_indices = @transform_0, window_bounds = array<i64: 512, 768>}, {transform_indices = @transform_1, window_bounds = array<i64: 512, 768>}, {pipeline_mode = #tpu.pipeline_mode<synchronous>, transform_indices = @transform_2, window_bounds = array<i64: 1, 768>}, {pipeline_mode = #tpu.pipeline_mode<synchronous>, transform_indices = @transform_3, window_bounds = array<i64: 1, 768>}, {pipeline_mode = #tpu.pipeline_mode<synchronous>, transform_indices = @transform_4, window_bounds = array<i64: 768, 768>}, {pipeline_mode = #tpu.pipeline_mode<synchronous>, transform_indices = @transform_5, window_bounds = array<i64: 1, 768>}, {pipeline_mode = #tpu.pipeline_mode<synchronous>, transform_indices = @transform_6, window_bounds = array<i64: 768, 768>}, {pipeline_mode = #tpu.pipeline_mode<synchronous>, transform_indices = @transform_7, window_bounds = array<i64: 1, 768>}, {pipeline_mode = #tpu.pipeline_mode<synchronous>, transform_indices = @transform_8, window_bounds = array<i64: 768, 768>}, {pipeline_mode = #tpu.pipeline_mode<synchronous>, transform_indices = @transform_9, window_bounds = array<i64: 1, 768>}, {transform_indices = @transform_10, window_bounds = array<i64: 512, 768>}, {transform_indices = @transform_11, window_bounds = array<i64: 512, 768>}, {transform_indices = @transform_12, window_bounds = array<i64: 512, 768>}]} {
    %get3A = arith.constant 0 : index
    %get3A_0 = arith.constant 0 : index
    %get3A_1 = vector.load %arg1[%get3A, %get3A_0] : memref<512x768xf32, #tpu.memory_space<vmem>>, vector<512x768xf32>
    %reduce_sum3A = arith.constant dense<0.000000e+00> : vector<512xf32>
    %reduce_sum3A_2 = vector.multi_reduction <add>, %get3A_1, %reduce_sum3A [1] : vector<512x768xf32> to vector<512xf32>
    %broadcast_in_dim3A = vector.shape_cast %reduce_sum3A_2 : vector<512xf32> to vector<512x1xf32>
    %div3A = arith.constant 7.680000e+02 : f32
    %div3A_3 = vector.broadcast %div3A : f32 to vector<512x1xf32>
    %div3A_4 = arith.divf %broadcast_in_dim3A, %div3A_3 : vector<512x1xf32>
    %sub3A = vector.broadcast %div3A_4 : vector<512x1xf32> to vector<512x768xf32>
    %sub3A_5 = arith.subf %get3A_1, %sub3A : vector<512x768xf32>
    %integer_pow3A = arith.mulf %sub3A_5, %sub3A_5 : vector<512x768xf32>
    %reduce_sum3A_6 = arith.constant dense<0.000000e+00> : vector<512xf32>
    %reduce_sum3A_7 = vector.multi_reduction <add>, %integer_pow3A, %reduce_sum3A_6 [1] : vector<512x768xf32> to vector<512xf32>
    %broadcast_in_dim3A_8 = vector.shape_cast %reduce_sum3A_7 : vector<512xf32> to vector<512x1xf32>
    %div3A_9 = arith.constant 7.680000e+02 : f32
    %div3A_10 = vector.broadcast %div3A_9 : f32 to vector<512x1xf32>
    %div3A_11 = arith.divf %broadcast_in_dim3A_8, %div3A_10 : vector<512x1xf32>
    %sub3A_12 = vector.broadcast %div3A_4 : vector<512x1xf32> to vector<512x768xf32>
    %sub3A_13 = arith.subf %get3A_1, %sub3A_12 : vector<512x768xf32>
    %add3A = arith.constant 9.99999974E-6 : f32
    %add3A_14 = vector.broadcast %add3A : f32 to vector<512x1xf32>
    %add3A_15 = arith.addf %div3A_11, %add3A_14 : vector<512x1xf32>
    %sqrt3A = math.sqrt %add3A_15 : vector<512x1xf32>
    %div3A_16 = vector.broadcast %sqrt3A : vector<512x1xf32> to vector<512x768xf32>
    %div3A_17 = arith.divf %sub3A_13, %div3A_16 : vector<512x768xf32>
    %get3A_18 = arith.constant 0 : index
    %get3A_19 = arith.constant 0 : index
    %get3A_20 = vector.load %arg3[%get3A_18, %get3A_19] : memref<1x768xf32, #tpu.memory_space<vmem>>, vector<1x768xf32>
    %mul3A = vector.broadcast %get3A_20 : vector<1x768xf32> to vector<512x768xf32>
    %mul3A_21 = arith.mulf %div3A_17, %mul3A : vector<512x768xf32>
    %get3A_22 = arith.constant 0 : index
    %get3A_23 = arith.constant 0 : index
    %get3A_24 = vector.load %arg4[%get3A_22, %get3A_23] : memref<1x768xf32, #tpu.memory_space<vmem>>, vector<1x768xf32>
    %add3A_25 = vector.broadcast %get3A_24 : vector<1x768xf32> to vector<512x768xf32>
    %add3A_26 = arith.addf %mul3A_21, %add3A_25 : vector<512x768xf32>
    %get3A_27 = arith.constant 0 : index
    %get3A_28 = arith.constant 0 : index
    %get3A_29 = vector.load %arg2[%get3A_27, %get3A_28] : memref<512x768xf32, #tpu.memory_space<vmem>>, vector<512x768xf32>
    %add3A_30 = arith.addf %add3A_26, %get3A_29 : vector<512x768xf32>
    %get3A_31 = arith.constant 0 : index
    %get3A_32 = arith.constant 0 : index
    %get3A_33 = vector.load %arg5[%get3A_31, %get3A_32] : memref<768x768xf32, #tpu.memory_space<vmem>>, vector<768x768xf32>
    %dot_general3A = arith.constant dense<0.000000e+00> : vector<512x768xf32>
    %dot_general3A_34 = tpu.matmul %add3A_30, %get3A_33, %dot_general3A {dimension_numbers = #tpu.dot_dimension_numbers<[1], [0], [0], [1], [0, 0, 1, 1], [], []>, transpose_lhs_hint = false} : vector<512x768xf32>, vector<768x768xf32>, vector<512x768xf32> -> vector<512x768xf32>
    %get3A_35 = arith.constant 0 : index
    %get3A_36 = arith.constant 0 : index
    %get3A_37 = vector.load %arg6[%get3A_35, %get3A_36] : memref<1x768xf32, #tpu.memory_space<vmem>>, vector<1x768xf32>
    %add3A_38 = vector.broadcast %get3A_37 : vector<1x768xf32> to vector<512x768xf32>
    %add3A_39 = arith.addf %dot_general3A_34, %add3A_38 : vector<512x768xf32>
    %swap3A = arith.constant 0 : index
    %swap3A_40 = arith.constant 0 : index
    %swap3A_41 = vector.load %arg11[%swap3A, %swap3A_40] : memref<512x768xf32, #tpu.memory_space<vmem>>, vector<512x768xf32>
    tpu.vector_store %arg11[%swap3A, %swap3A_40], %add3A_39 {strides = array<i32>} : memref<512x768xf32, #tpu.memory_space<vmem>>, vector<512x768xf32>,
    %get3A_42 = arith.constant 0 : index
    %get3A_43 = arith.constant 0 : index
    %get3A_44 = vector.load %arg7[%get3A_42, %get3A_43] : memref<768x768xf32, #tpu.memory_space<vmem>>, vector<768x768xf32>
    %dot_general3A_45 = arith.constant dense<0.000000e+00> : vector<512x768xf32>
    %dot_general3A_46 = tpu.matmul %add3A_30, %get3A_44, %dot_general3A_45 {dimension_numbers = #tpu.dot_dimension_numbers<[1], [0], [0], [1], [0, 0, 1, 1], [], []>, transpose_lhs_hint = false} : vector<512x768xf32>, vector<768x768xf32>, vector<512x768xf32> -> vector<512x768xf32>
    %get3A_47 = arith.constant 0 : index
    %get3A_48 = arith.constant 0 : index
    %get3A_49 = vector.load %arg8[%get3A_47, %get3A_48] : memref<1x768xf32, #tpu.memory_space<vmem>>, vector<1x768xf32>
    %add3A_50 = vector.broadcast %get3A_49 : vector<1x768xf32> to vector<512x768xf32>
    %add3A_51 = arith.addf %dot_general3A_46, %add3A_50 : vector<512x768xf32>
    %swap3A_52 = arith.constant 0 : index
    %swap3A_53 = arith.constant 0 : index
    %swap3A_54 = vector.load %arg12[%swap3A_52, %swap3A_53] : memref<512x768xf32, #tpu.memory_space<vmem>>, vector<512x768xf32>
    tpu.vector_store %arg12[%swap3A_52, %swap3A_53], %add3A_51 {strides = array<i32>} : memref<512x768xf32, #tpu.memory_space<vmem>>, vector<512x768xf32>,
    %get3A_55 = arith.constant 0 : index
    %get3A_56 = arith.constant 0 : index
    %get3A_57 = vector.load %arg9[%get3A_55, %get3A_56] : memref<768x768xf32, #tpu.memory_space<vmem>>, vector<768x768xf32>
    %dot_general3A_58 = arith.constant dense<0.000000e+00> : vector<512x768xf32>
    %dot_general3A_59 = tpu.matmul %add3A_30, %get3A_57, %dot_general3A_58 {dimension_numbers = #tpu.dot_dimension_numbers<[1], [0], [0], [1], [0, 0, 1, 1], [], []>, transpose_lhs_hint = false} : vector<512x768xf32>, vector<768x768xf32>, vector<512x768xf32> -> vector<512x768xf32>
    %get3A_60 = arith.constant 0 : index
    %get3A_61 = arith.constant 0 : index
    %get3A_62 = vector.load %arg10[%get3A_60, %get3A_61] : memref<1x768xf32, #tpu.memory_space<vmem>>, vector<1x768xf32>
    %add3A_63 = vector.broadcast %get3A_62 : vector<1x768xf32> to vector<512x768xf32>
    %add3A_64 = arith.addf %dot_general3A_59, %add3A_63 : vector<512x768xf32>
    %swap3A_65 = arith.constant 0 : index
    %swap3A_66 = arith.constant 0 : index
    %swap3A_67 = vector.load %arg13[%swap3A_65, %swap3A_66] : memref<512x768xf32, #tpu.memory_space<vmem>>, vector<512x768xf32>
    tpu.vector_store %arg13[%swap3A_65, %swap3A_66], %add3A_64 {strides = array<i32>} : memref<512x768xf32, #tpu.memory_space<vmem>>, vector<512x768xf32>,
    return
  }
  func.func @transform_0(%arg0: i32) -> (i32, i32) {
    %c0_i32 = arith.constant 0 : i32
    %c0_i32_0 = arith.constant 0 : i32
    return %arg0, %c0_i32 : i32, i32
  }
  func.func @transform_1(%arg0: i32) -> (i32, i32) {
    %c0_i32 = arith.constant 0 : i32
    %c0_i32_0 = arith.constant 0 : i32
    return %arg0, %c0_i32 : i32, i32
  }
  func.func @transform_2(%arg0: i32) -> (i32, i32) {
    %c0_i32 = arith.constant 0 : i32
    %c0_i32_0 = arith.constant 0 : i32
    %c0_i32_1 = arith.constant 0 : i32
    return %c0_i32, %c0_i32_0 : i32, i32
  }
  func.func @transform_3(%arg0: i32) -> (i32, i32) {
    %c0_i32 = arith.constant 0 : i32
    %c0_i32_0 = arith.constant 0 : i32
    %c0_i32_1 = arith.constant 0 : i32
    return %c0_i32, %c0_i32_0 : i32, i32
  }
  func.func @transform_4(%arg0: i32) -> (i32, i32) {
    %c0_i32 = arith.constant 0 : i32
    %c0_i32_0 = arith.constant 0 : i32
    %c0_i32_1 = arith.constant 0 : i32
    return %c0_i32, %c0_i32_0 : i32, i32
  }
  func.func @transform_5(%arg0: i32) -> (i32, i32) {
    %c0_i32 = arith.constant 0 : i32
    %c0_i32_0 = arith.constant 0 : i32
    %c0_i32_1 = arith.constant 0 : i32
    return %c0_i32, %c0_i32_0 : i32, i32
  }
  func.func @transform_6(%arg0: i32) -> (i32, i32) {
    %c0_i32 = arith.constant 0 : i32
    %c0_i32_0 = arith.constant 0 : i32
    %c0_i32_1 = arith.constant 0 : i32
    return %c0_i32, %c0_i32_0 : i32, i32
  }
  func.func @transform_7(%arg0: i32) -> (i32, i32) {
    %c0_i32 = arith.constant 0 : i32
    %c0_i32_0 = arith.constant 0 : i32
    %c0_i32_1 = arith.constant 0 : i32
    return %c0_i32, %c0_i32_0 : i32, i32
  }
  func.func @transform_8(%arg0: i32) -> (i32, i32) {
    %c0_i32 = arith.constant 0 : i32
    %c0_i32_0 = arith.constant 0 : i32
    %c0_i32_1 = arith.constant 0 : i32
    return %c0_i32, %c0_i32_0 : i32, i32
  }
  func.func @transform_9(%arg0: i32) -> (i32, i32) {
    %c0_i32 = arith.constant 0 : i32
    %c0_i32_0 = arith.constant 0 : i32
    %c0_i32_1 = arith.constant 0 : i32
    return %c0_i32, %c0_i32_0 : i32, i32
  }
  func.func @transform_10(%arg0: i32) -> (i32, i32) {
    %c0_i32 = arith.constant 0 : i32
    %c0_i32_0 = arith.constant 0 : i32
    return %arg0, %c0_i32 : i32, i32
  }
  func.func @transform_11(%arg0: i32) -> (i32, i32) {
    %c0_i32 = arith.constant 0 : i32
    %c0_i32_0 = arith.constant 0 : i32
    return %arg0, %c0_i32 : i32, i32
  }
  func.func @transform_12(%arg0: i32) -> (i32, i32) {
    %c0_i32 = arith.constant 0 : i32
    %c0_i32_0 = arith.constant 0 : i32
    return %arg0, %c0_i32 : i32, i32
  }
}

module attributes {stable_mosaic.version = 14 : i64} {
  func.func @_proj_body(%arg0: i32, %arg1: memref<512x768xf32, #tpu.memory_space<vmem>>, %arg2: memref<512x768xf32, #tpu.memory_space<vmem>>, %arg3: memref<768x768xf32, #tpu.memory_space<vmem>>, %arg4: memref<1x768xf32, #tpu.memory_space<vmem>>, %arg5: memref<1x768xf32, #tpu.memory_space<vmem>>, %arg6: memref<1x768xf32, #tpu.memory_space<vmem>>, %arg7: memref<768x64xf32, #tpu.memory_space<vmem>>, %arg8: memref<512x768xf32, #tpu.memory_space<vmem>>, %arg9: memref<512x768xf32, #tpu.memory_space<vmem>>, %arg10: memref<512x1xi32, #tpu.memory_space<vmem>>, %arg11: memref<512x1xf32, #tpu.memory_space<vmem>>, %arg12: memref<512x1xf32, #tpu.memory_space<vmem>>, %arg13: memref<1x64xf32, #tpu.memory_space<vmem>>) attributes {dimension_semantics = [#tpu.dimension_semantics<arbitrary>], iteration_bounds = array<i64: 4>, scalar_prefetch = 0 : i64, scratch_operands = 1 : i64, tpu.core_type = #tpu.core_type<tc>, window_params = [{transform_indices = @transform_0, window_bounds = array<i64: 512, 768>}, {transform_indices = @transform_1, window_bounds = array<i64: 512, 768>}, {pipeline_mode = #tpu.pipeline_mode<synchronous>, transform_indices = @transform_2, window_bounds = array<i64: 768, 768>}, {pipeline_mode = #tpu.pipeline_mode<synchronous>, transform_indices = @transform_3, window_bounds = array<i64: 1, 768>}, {pipeline_mode = #tpu.pipeline_mode<synchronous>, transform_indices = @transform_4, window_bounds = array<i64: 1, 768>}, {pipeline_mode = #tpu.pipeline_mode<synchronous>, transform_indices = @transform_5, window_bounds = array<i64: 1, 768>}, {pipeline_mode = #tpu.pipeline_mode<synchronous>, transform_indices = @transform_6, window_bounds = array<i64: 768, 64>}, {transform_indices = @transform_7, window_bounds = array<i64: 512, 768>}, {transform_indices = @transform_8, window_bounds = array<i64: 512, 768>}, {transform_indices = @transform_9, window_bounds = array<i64: 512, 1>}, {transform_indices = @transform_10, window_bounds = array<i64: 512, 1>}, {transform_indices = @transform_11, window_bounds = array<i64: 512, 1>}]} {
    %eq3A = arith.constant 0 : i32
    %eq3A_0 = arith.cmpi eq, %arg0, %eq3A : i32
    %convert_element_type3A = arith.extui %eq3A_0 : i1 to i32
    %cond3A = arith.constant 0 : i32
    %cond3A_1 = arith.cmpi ne, %convert_element_type3A, %cond3A : i32
    scf.if %cond3A_1 {
      %broadcast_in_dim3A_120 = arith.constant 0.000000e+00 : f32
      %broadcast_in_dim3A_121 = vector.broadcast %broadcast_in_dim3A_120 : f32 to vector<1x64xf32>
      %swap3A_122 = arith.constant 0 : index
      %swap3A_123 = arith.constant 0 : index
      %swap3A_124 = vector.load %arg13[%swap3A_122, %swap3A_123] : memref<1x64xf32, #tpu.memory_space<vmem>>, vector<1x64xf32>
      tpu.vector_store %arg13[%swap3A_122, %swap3A_123], %broadcast_in_dim3A_121 {strides = array<i32>} : memref<1x64xf32, #tpu.memory_space<vmem>>, vector<1x64xf32>,
    } else {
    }
    %get3A = arith.constant 0 : index
    %get3A_2 = arith.constant 0 : index
    %get3A_3 = vector.load %arg1[%get3A, %get3A_2] : memref<512x768xf32, #tpu.memory_space<vmem>>, vector<512x768xf32>
    %get3A_4 = arith.constant 0 : index
    %get3A_5 = arith.constant 0 : index
    %get3A_6 = vector.load %arg3[%get3A_4, %get3A_5] : memref<768x768xf32, #tpu.memory_space<vmem>>, vector<768x768xf32>
    %dot_general3A = arith.constant dense<0.000000e+00> : vector<512x768xf32>
    %dot_general3A_7 = tpu.matmul %get3A_3, %get3A_6, %dot_general3A {dimension_numbers = #tpu.dot_dimension_numbers<[1], [0], [0], [1], [0, 0, 1, 1], [], []>, transpose_lhs_hint = false} : vector<512x768xf32>, vector<768x768xf32>, vector<512x768xf32> -> vector<512x768xf32>
    %get3A_8 = arith.constant 0 : index
    %get3A_9 = arith.constant 0 : index
    %get3A_10 = vector.load %arg4[%get3A_8, %get3A_9] : memref<1x768xf32, #tpu.memory_space<vmem>>, vector<1x768xf32>
    %add3A = vector.broadcast %get3A_10 : vector<1x768xf32> to vector<512x768xf32>
    %add3A_11 = arith.addf %dot_general3A_7, %add3A : vector<512x768xf32>
    %get3A_12 = arith.constant 0 : index
    %get3A_13 = arith.constant 0 : index
    %get3A_14 = vector.load %arg2[%get3A_12, %get3A_13] : memref<512x768xf32, #tpu.memory_space<vmem>>, vector<512x768xf32>
    %add3A_15 = arith.addf %add3A_11, %get3A_14 : vector<512x768xf32>
    %swap3A = arith.constant 0 : index
    %swap3A_16 = arith.constant 0 : index
    %swap3A_17 = vector.load %arg8[%swap3A, %swap3A_16] : memref<512x768xf32, #tpu.memory_space<vmem>>, vector<512x768xf32>
    tpu.vector_store %arg8[%swap3A, %swap3A_16], %add3A_15 {strides = array<i32>} : memref<512x768xf32, #tpu.memory_space<vmem>>, vector<512x768xf32>,
    %reduce_sum3A = arith.constant dense<0.000000e+00> : vector<512xf32>
    %reduce_sum3A_18 = vector.multi_reduction <add>, %add3A_15, %reduce_sum3A [1] : vector<512x768xf32> to vector<512xf32>
    %broadcast_in_dim3A = vector.shape_cast %reduce_sum3A_18 : vector<512xf32> to vector<512x1xf32>
    %div3A = arith.constant 7.680000e+02 : f32
    %div3A_19 = vector.broadcast %div3A : f32 to vector<512x1xf32>
    %div3A_20 = arith.divf %broadcast_in_dim3A, %div3A_19 : vector<512x1xf32>
    %sub3A = vector.broadcast %div3A_20 : vector<512x1xf32> to vector<512x768xf32>
    %sub3A_21 = arith.subf %add3A_15, %sub3A : vector<512x768xf32>
    %integer_pow3A = arith.mulf %sub3A_21, %sub3A_21 : vector<512x768xf32>
    %reduce_sum3A_22 = arith.constant dense<0.000000e+00> : vector<512xf32>
    %reduce_sum3A_23 = vector.multi_reduction <add>, %integer_pow3A, %reduce_sum3A_22 [1] : vector<512x768xf32> to vector<512xf32>
    %broadcast_in_dim3A_24 = vector.shape_cast %reduce_sum3A_23 : vector<512xf32> to vector<512x1xf32>
    %div3A_25 = arith.constant 7.680000e+02 : f32
    %div3A_26 = vector.broadcast %div3A_25 : f32 to vector<512x1xf32>
    %div3A_27 = arith.divf %broadcast_in_dim3A_24, %div3A_26 : vector<512x1xf32>
    %sub3A_28 = vector.broadcast %div3A_20 : vector<512x1xf32> to vector<512x768xf32>
    %sub3A_29 = arith.subf %add3A_15, %sub3A_28 : vector<512x768xf32>
    %add3A_30 = arith.constant 9.99999974E-6 : f32
    %add3A_31 = vector.broadcast %add3A_30 : f32 to vector<512x1xf32>
    %add3A_32 = arith.addf %div3A_27, %add3A_31 : vector<512x1xf32>
    %sqrt3A = math.sqrt %add3A_32 : vector<512x1xf32>
    %div3A_33 = vector.broadcast %sqrt3A : vector<512x1xf32> to vector<512x768xf32>
    %div3A_34 = arith.divf %sub3A_29, %div3A_33 : vector<512x768xf32>
    %get3A_35 = arith.constant 0 : index
    %get3A_36 = arith.constant 0 : index
    %get3A_37 = vector.load %arg5[%get3A_35, %get3A_36] : memref<1x768xf32, #tpu.memory_space<vmem>>, vector<1x768xf32>
    %mul3A = vector.broadcast %get3A_37 : vector<1x768xf32> to vector<512x768xf32>
    %mul3A_38 = arith.mulf %div3A_34, %mul3A : vector<512x768xf32>
    %get3A_39 = arith.constant 0 : index
    %get3A_40 = arith.constant 0 : index
    %get3A_41 = vector.load %arg6[%get3A_39, %get3A_40] : memref<1x768xf32, #tpu.memory_space<vmem>>, vector<1x768xf32>
    %add3A_42 = vector.broadcast %get3A_41 : vector<1x768xf32> to vector<512x768xf32>
    %add3A_43 = arith.addf %mul3A_38, %add3A_42 : vector<512x768xf32>
    %swap3A_44 = arith.constant 0 : index
    %swap3A_45 = arith.constant 0 : index
    %swap3A_46 = vector.load %arg9[%swap3A_44, %swap3A_45] : memref<512x768xf32, #tpu.memory_space<vmem>>, vector<512x768xf32>
    tpu.vector_store %arg9[%swap3A_44, %swap3A_45], %add3A_43 {strides = array<i32>} : memref<512x768xf32, #tpu.memory_space<vmem>>, vector<512x768xf32>,
    %get3A_47 = arith.constant 0 : index
    %get3A_48 = arith.constant 0 : index
    %get3A_49 = vector.load %arg7[%get3A_47, %get3A_48] : memref<768x64xf32, #tpu.memory_space<vmem>>, vector<768x64xf32>
    %dot_general3A_50 = arith.constant dense<0.000000e+00> : vector<512x64xf32>
    %dot_general3A_51 = tpu.matmul %add3A_43, %get3A_49, %dot_general3A_50 {dimension_numbers = #tpu.dot_dimension_numbers<[1], [0], [0], [1], [0, 0, 1, 1], [], []>, transpose_lhs_hint = false} : vector<512x768xf32>, vector<768x64xf32>, vector<512x64xf32> -> vector<512x64xf32>
    %reduce_max3A = arith.constant dense<0xFF800000> : vector<512xf32>
    %reduce_max3A_52 = vector.multi_reduction <maximumf>, %dot_general3A_51, %reduce_max3A [1] : vector<512x64xf32> to vector<512xf32>
    %broadcast_in_dim3A_53 = vector.shape_cast %reduce_max3A_52 : vector<512xf32> to vector<512x1xf32>
    %sub3A_54 = vector.broadcast %broadcast_in_dim3A_53 : vector<512x1xf32> to vector<512x64xf32>
    %sub3A_55 = arith.subf %dot_general3A_51, %sub3A_54 : vector<512x64xf32>
    %exp3A = math.exp %sub3A_55 : vector<512x64xf32>
    %reduce_sum3A_56 = arith.constant dense<0.000000e+00> : vector<512xf32>
    %reduce_sum3A_57 = vector.multi_reduction <add>, %exp3A, %reduce_sum3A_56 [1] : vector<512x64xf32> to vector<512xf32>
    %broadcast_in_dim3A_58 = vector.shape_cast %reduce_sum3A_57 : vector<512xf32> to vector<512x1xf32>
    %div3A_59 = arith.constant 1.000000e+00 : f32
    %div3A_60 = vector.broadcast %div3A_59 : f32 to vector<512x1xf32>
    %div3A_61 = arith.divf %div3A_60, %broadcast_in_dim3A_58 : vector<512x1xf32>
    %swap3A_62 = arith.constant 0 : index
    %swap3A_63 = arith.constant 0 : index
    %swap3A_64 = vector.load %arg11[%swap3A_62, %swap3A_63] : memref<512x1xf32, #tpu.memory_space<vmem>>, vector<512x1xf32>
    tpu.vector_store %arg11[%swap3A_62, %swap3A_63], %div3A_61 {strides = array<i32>} : memref<512x1xf32, #tpu.memory_space<vmem>>, vector<512x1xf32>,
    %iota3A = tpu.iota {dimensions = array<i32: 1>} : vector<512x64xi32>
    %eq3A_65 = vector.broadcast %broadcast_in_dim3A_53 : vector<512x1xf32> to vector<512x64xf32>
    %eq3A_66 = arith.cmpf oeq, %dot_general3A_51, %eq3A_65 : vector<512x64xf32>
    %jit3A = arith.constant 64 : i32
    %broadcast_in_dim3A_67 = vector.broadcast %jit3A : i32 to vector<512x64xi32>
    %select_n3A = arith.select %eq3A_66, %iota3A, %broadcast_in_dim3A_67 : vector<512x64xi1>, vector<512x64xi32>
    %reduce_min3A = arith.constant dense<2147483647> : vector<512xi32>
    %reduce_min3A_68 = vector.multi_reduction <minsi>, %select_n3A, %reduce_min3A [1] : vector<512x64xi32> to vector<512xi32>
    %broadcast_in_dim3A_69 = vector.shape_cast %reduce_min3A_68 : vector<512xi32> to vector<512x1xi32>
    %eq3A_70 = vector.broadcast %broadcast_in_dim3A_69 : vector<512x1xi32> to vector<512x64xi32>
    %eq3A_71 = arith.cmpi eq, %iota3A, %eq3A_70 : vector<512x64xi32>
    %convert_element_type3A_72 = arith.extui %eq3A_71 : vector<512x64xi1> to vector<512x64xi32>
    %convert_element_type3A_73 = arith.sitofp %convert_element_type3A_72 : vector<512x64xi32> to vector<512x64xf32>
    %iota3A_74 = tpu.iota {dimensions = array<i32: 0>} : vector<512x512xi32>
    %iota3A_75 = tpu.iota {dimensions = array<i32: 1>} : vector<512x512xi32>
    %le3A = arith.cmpi sle, %iota3A_75, %iota3A_74 : vector<512x512xi32>
    %convert_element_type3A_76 = arith.extui %le3A : vector<512x512xi1> to vector<512x512xi32>
    %convert_element_type3A_77 = arith.sitofp %convert_element_type3A_76 : vector<512x512xi32> to vector<512x512xf32>
    %dot_general3A_78 = arith.constant dense<0.000000e+00> : vector<512x64xf32>
    %dot_general3A_79 = tpu.matmul %convert_element_type3A_77, %convert_element_type3A_73, %dot_general3A_78 {dimension_numbers = #tpu.dot_dimension_numbers<[1], [0], [0], [1], [0, 0, 1, 1], [], []>, transpose_lhs_hint = false} : vector<512x512xf32>, vector<512x64xf32>, vector<512x64xf32> -> vector<512x64xf32>
    %get3A_80 = arith.constant 0 : index
    %get3A_81 = arith.constant 0 : index
    %get3A_82 = vector.load %arg13[%get3A_80, %get3A_81] : memref<1x64xf32, #tpu.memory_space<vmem>>, vector<1x64xf32>
    %add3A_83 = vector.broadcast %get3A_82 : vector<1x64xf32> to vector<512x64xf32>
    %add3A_84 = arith.addf %dot_general3A_79, %add3A_83 : vector<512x64xf32>
    %mul3A_85 = arith.mulf %add3A_84, %convert_element_type3A_73 : vector<512x64xf32>
    %reduce_sum3A_86 = arith.constant dense<0.000000e+00> : vector<512xf32>
    %reduce_sum3A_87 = vector.multi_reduction <add>, %mul3A_85, %reduce_sum3A_86 [1] : vector<512x64xf32> to vector<512xf32>
    %broadcast_in_dim3A_88 = vector.shape_cast %reduce_sum3A_87 : vector<512xf32> to vector<512x1xf32>
    %sub3A_89 = arith.constant 1.000000e+00 : f32
    %sub3A_90 = vector.broadcast %sub3A_89 : f32 to vector<512x1xf32>
    %sub3A_91 = arith.subf %broadcast_in_dim3A_88, %sub3A_90 : vector<512x1xf32>
    %get3A_92 = arith.constant 0 : index
    %get3A_93 = arith.constant 0 : index
    %get3A_94 = vector.load %arg13[%get3A_92, %get3A_93] : memref<1x64xf32, #tpu.memory_space<vmem>>, vector<1x64xf32>
    %reduce_sum3A_95 = arith.constant dense<0.000000e+00> : vector<64xf32>
    %reduce_sum3A_96 = vector.multi_reduction <add>, %convert_element_type3A_73, %reduce_sum3A_95 [0] : vector<512x64xf32> to vector<64xf32>
    %broadcast_in_dim3A_97 = vector.shape_cast %reduce_sum3A_96 : vector<64xf32> to vector<1x64xf32>
    %add3A_98 = arith.addf %get3A_94, %broadcast_in_dim3A_97 : vector<1x64xf32>
    %swap3A_99 = arith.constant 0 : index
    %swap3A_100 = arith.constant 0 : index
    %swap3A_101 = vector.load %arg13[%swap3A_99, %swap3A_100] : memref<1x64xf32, #tpu.memory_space<vmem>>, vector<1x64xf32>
    tpu.vector_store %arg13[%swap3A_99, %swap3A_100], %add3A_98 {strides = array<i32>} : memref<1x64xf32, #tpu.memory_space<vmem>>, vector<1x64xf32>,
    %convert_element_type3A_102 = arith.fptosi %sub3A_91 : vector<512x1xf32> to vector<512x1xi32>
    %lt3A = arith.constant 40 : i32
    %lt3A_103 = vector.broadcast %lt3A : i32 to vector<512x1xi32>
    %lt3A_104 = arith.cmpi slt, %convert_element_type3A_102, %lt3A_103 : vector<512x1xi32>
    %mul3A_105 = arith.constant 40 : i32
    %mul3A_106 = vector.broadcast %mul3A_105 : i32 to vector<512x1xi32>
    %mul3A_107 = arith.muli %broadcast_in_dim3A_69, %mul3A_106 : vector<512x1xi32>
    %add3A_108 = arith.addi %mul3A_107, %convert_element_type3A_102 : vector<512x1xi32>
    %jit3A_109 = arith.constant 2560 : i32
    %broadcast_in_dim3A_110 = vector.broadcast %jit3A_109 : i32 to vector<512x1xi32>
    %select_n3A_111 = arith.select %lt3A_104, %add3A_108, %broadcast_in_dim3A_110 : vector<512x1xi1>, vector<512x1xi32>
    %swap3A_112 = arith.constant 0 : index
    %swap3A_113 = arith.constant 0 : index
    %swap3A_114 = vector.load %arg10[%swap3A_112, %swap3A_113] : memref<512x1xi32, #tpu.memory_space<vmem>>, vector<512x1xi32>
    tpu.vector_store %arg10[%swap3A_112, %swap3A_113], %select_n3A_111 {strides = array<i32>} : memref<512x1xi32, #tpu.memory_space<vmem>>, vector<512x1xi32>,
    %convert_element_type3A_115 = arith.extui %lt3A_104 : vector<512x1xi1> to vector<512x1xi32>
    %convert_element_type3A_116 = arith.sitofp %convert_element_type3A_115 : vector<512x1xi32> to vector<512x1xf32>
    %swap3A_117 = arith.constant 0 : index
    %swap3A_118 = arith.constant 0 : index
    %swap3A_119 = vector.load %arg12[%swap3A_117, %swap3A_118] : memref<512x1xf32, #tpu.memory_space<vmem>>, vector<512x1xf32>
    tpu.vector_store %arg12[%swap3A_117, %swap3A_118], %convert_element_type3A_116 {strides = array<i32>} : memref<512x1xf32, #tpu.memory_space<vmem>>, vector<512x1xf32>,
    return
  }
  func.func @transform_0(%arg0: i32) -> (i32, i32) {
    %c0_i32 = arith.constant 0 : i32
    %c0_i32_0 = arith.constant 0 : i32
    return %arg0, %c0_i32 : i32, i32
  }
  func.func @transform_1(%arg0: i32) -> (i32, i32) {
    %c0_i32 = arith.constant 0 : i32
    %c0_i32_0 = arith.constant 0 : i32
    return %arg0, %c0_i32 : i32, i32
  }
  func.func @transform_2(%arg0: i32) -> (i32, i32) {
    %c0_i32 = arith.constant 0 : i32
    %c0_i32_0 = arith.constant 0 : i32
    %c0_i32_1 = arith.constant 0 : i32
    return %c0_i32, %c0_i32_0 : i32, i32
  }
  func.func @transform_3(%arg0: i32) -> (i32, i32) {
    %c0_i32 = arith.constant 0 : i32
    %c0_i32_0 = arith.constant 0 : i32
    %c0_i32_1 = arith.constant 0 : i32
    return %c0_i32, %c0_i32_0 : i32, i32
  }
  func.func @transform_4(%arg0: i32) -> (i32, i32) {
    %c0_i32 = arith.constant 0 : i32
    %c0_i32_0 = arith.constant 0 : i32
    %c0_i32_1 = arith.constant 0 : i32
    return %c0_i32, %c0_i32_0 : i32, i32
  }
  func.func @transform_5(%arg0: i32) -> (i32, i32) {
    %c0_i32 = arith.constant 0 : i32
    %c0_i32_0 = arith.constant 0 : i32
    %c0_i32_1 = arith.constant 0 : i32
    return %c0_i32, %c0_i32_0 : i32, i32
  }
  func.func @transform_6(%arg0: i32) -> (i32, i32) {
    %c0_i32 = arith.constant 0 : i32
    %c0_i32_0 = arith.constant 0 : i32
    %c0_i32_1 = arith.constant 0 : i32
    return %c0_i32, %c0_i32_0 : i32, i32
  }
  func.func @transform_7(%arg0: i32) -> (i32, i32) {
    %c0_i32 = arith.constant 0 : i32
    %c0_i32_0 = arith.constant 0 : i32
    return %arg0, %c0_i32 : i32, i32
  }
  func.func @transform_8(%arg0: i32) -> (i32, i32) {
    %c0_i32 = arith.constant 0 : i32
    %c0_i32_0 = arith.constant 0 : i32
    return %arg0, %c0_i32 : i32, i32
  }
  func.func @transform_9(%arg0: i32) -> (i32, i32) {
    %c0_i32 = arith.constant 0 : i32
    %c0_i32_0 = arith.constant 0 : i32
    return %arg0, %c0_i32 : i32, i32
  }
  func.func @transform_10(%arg0: i32) -> (i32, i32) {
    %c0_i32 = arith.constant 0 : i32
    %c0_i32_0 = arith.constant 0 : i32
    return %arg0, %c0_i32 : i32, i32
  }
  func.func @transform_11(%arg0: i32) -> (i32, i32) {
    %c0_i32 = arith.constant 0 : i32
    %c0_i32_0 = arith.constant 0 : i32
    return %arg0, %c0_i32 : i32, i32
  }
}

module attributes {stable_mosaic.version = 14 : i64} {
  func.func @_attn_body(%arg0: i32, %arg1: i32, %arg2: memref<512x128xf32, #tpu.memory_space<vmem>>, %arg3: memref<2048x128xf32, #tpu.memory_space<vmem>>, %arg4: memref<2048x128xf32, #tpu.memory_space<vmem>>, %arg5: memref<2x512x2048xf32, #tpu.memory_space<vmem>>, %arg6: memref<512x128xf32, #tpu.memory_space<vmem>>) attributes {dimension_semantics = [#tpu.dimension_semantics<parallel>, #tpu.dimension_semantics<arbitrary>], iteration_bounds = array<i64: 6, 4>, scalar_prefetch = 0 : i64, scratch_operands = 0 : i64, tpu.core_type = #tpu.core_type<tc>, window_params = [{transform_indices = @transform_0, window_bounds = array<i64: 512, 128>}, {transform_indices = @transform_1, window_bounds = array<i64: 2048, 128>}, {transform_indices = @transform_2, window_bounds = array<i64: 2048, 128>}, {transform_indices = @transform_3, window_bounds = array<i64: 2, 512, 2048>}, {transform_indices = @transform_4, window_bounds = array<i64: 512, 128>}]} {
    %get3A = arith.constant 0 : index
    %get3A_0 = arith.constant 0 : index
    %get3A_1 = vector.load %arg2[%get3A, %get3A_0] : memref<512x128xf32, #tpu.memory_space<vmem>>, vector<512x128xf32>
    %mul3A = arith.constant 1.250000e-01 : f32
    %mul3A_2 = vector.broadcast %mul3A : f32 to vector<512x128xf32>
    %mul3A_3 = arith.mulf %get3A_1, %mul3A_2 : vector<512x128xf32>
    %slice3A = vector.extract_strided_slice %mul3A_3 {offsets = [0, 0], sizes = [512, 64], strides = [1, 1]} : vector<512x128xf32> to vector<512x64xf32>
    %get3A_4 = arith.constant 0 : index
    %get3A_5 = arith.constant 0 : index
    %get3A_6 = vector.load %arg3[%get3A_4, %get3A_5] : memref<2048x128xf32, #tpu.memory_space<vmem>>, vector<512x64xf32>
    %dot_general3A = arith.constant dense<0.000000e+00> : vector<512x512xf32>
    %dot_general3A_7 = tpu.matmul %slice3A, %get3A_6, %dot_general3A {dimension_numbers = #tpu.dot_dimension_numbers<[1], [1], [0], [0], [0, 0, 1, 0], [], []>, transpose_lhs_hint = false} : vector<512x64xf32>, vector<512x64xf32>, vector<512x512xf32> -> vector<512x512xf32>
    %exp3A = math.exp %dot_general3A_7 : vector<512x512xf32>
    %reduce_sum3A = arith.constant dense<0.000000e+00> : vector<512xf32>
    %reduce_sum3A_8 = vector.multi_reduction <add>, %exp3A, %reduce_sum3A [1] : vector<512x512xf32> to vector<512xf32>
    %broadcast_in_dim3A = vector.shape_cast %reduce_sum3A_8 : vector<512xf32> to vector<512x1xf32>
    %get3A_9 = arith.constant 512 : index
    %get3A_10 = arith.constant 0 : index
    %get3A_11 = vector.load %arg3[%get3A_9, %get3A_10] : memref<2048x128xf32, #tpu.memory_space<vmem>>, vector<512x64xf32>
    %dot_general3A_12 = arith.constant dense<0.000000e+00> : vector<512x512xf32>
    %dot_general3A_13 = tpu.matmul %slice3A, %get3A_11, %dot_general3A_12 {dimension_numbers = #tpu.dot_dimension_numbers<[1], [1], [0], [0], [0, 0, 1, 0], [], []>, transpose_lhs_hint = false} : vector<512x64xf32>, vector<512x64xf32>, vector<512x512xf32> -> vector<512x512xf32>
    %exp3A_14 = math.exp %dot_general3A_13 : vector<512x512xf32>
    %reduce_sum3A_15 = arith.constant dense<0.000000e+00> : vector<512xf32>
    %reduce_sum3A_16 = vector.multi_reduction <add>, %exp3A_14, %reduce_sum3A_15 [1] : vector<512x512xf32> to vector<512xf32>
    %broadcast_in_dim3A_17 = vector.shape_cast %reduce_sum3A_16 : vector<512xf32> to vector<512x1xf32>
    %add3A = arith.addf %broadcast_in_dim3A, %broadcast_in_dim3A_17 : vector<512x1xf32>
    %get3A_18 = arith.constant 1024 : index
    %get3A_19 = arith.constant 0 : index
    %get3A_20 = vector.load %arg3[%get3A_18, %get3A_19] : memref<2048x128xf32, #tpu.memory_space<vmem>>, vector<512x64xf32>
    %dot_general3A_21 = arith.constant dense<0.000000e+00> : vector<512x512xf32>
    %dot_general3A_22 = tpu.matmul %slice3A, %get3A_20, %dot_general3A_21 {dimension_numbers = #tpu.dot_dimension_numbers<[1], [1], [0], [0], [0, 0, 1, 0], [], []>, transpose_lhs_hint = false} : vector<512x64xf32>, vector<512x64xf32>, vector<512x512xf32> -> vector<512x512xf32>
    %exp3A_23 = math.exp %dot_general3A_22 : vector<512x512xf32>
    %reduce_sum3A_24 = arith.constant dense<0.000000e+00> : vector<512xf32>
    %reduce_sum3A_25 = vector.multi_reduction <add>, %exp3A_23, %reduce_sum3A_24 [1] : vector<512x512xf32> to vector<512xf32>
    %broadcast_in_dim3A_26 = vector.shape_cast %reduce_sum3A_25 : vector<512xf32> to vector<512x1xf32>
    %add3A_27 = arith.addf %add3A, %broadcast_in_dim3A_26 : vector<512x1xf32>
    %get3A_28 = arith.constant 1536 : index
    %get3A_29 = arith.constant 0 : index
    %get3A_30 = vector.load %arg3[%get3A_28, %get3A_29] : memref<2048x128xf32, #tpu.memory_space<vmem>>, vector<512x64xf32>
    %dot_general3A_31 = arith.constant dense<0.000000e+00> : vector<512x512xf32>
    %dot_general3A_32 = tpu.matmul %slice3A, %get3A_30, %dot_general3A_31 {dimension_numbers = #tpu.dot_dimension_numbers<[1], [1], [0], [0], [0, 0, 1, 0], [], []>, transpose_lhs_hint = false} : vector<512x64xf32>, vector<512x64xf32>, vector<512x512xf32> -> vector<512x512xf32>
    %exp3A_33 = math.exp %dot_general3A_32 : vector<512x512xf32>
    %reduce_sum3A_34 = arith.constant dense<0.000000e+00> : vector<512xf32>
    %reduce_sum3A_35 = vector.multi_reduction <add>, %exp3A_33, %reduce_sum3A_34 [1] : vector<512x512xf32> to vector<512xf32>
    %broadcast_in_dim3A_36 = vector.shape_cast %reduce_sum3A_35 : vector<512xf32> to vector<512x1xf32>
    %add3A_37 = arith.addf %add3A_27, %broadcast_in_dim3A_36 : vector<512x1xf32>
    %div3A = arith.constant 1.000000e+00 : f32
    %div3A_38 = vector.broadcast %div3A : f32 to vector<512x1xf32>
    %div3A_39 = arith.divf %div3A_38, %add3A_37 : vector<512x1xf32>
    %mul3A_40 = vector.broadcast %div3A_39 : vector<512x1xf32> to vector<512x512xf32>
    %mul3A_41 = arith.mulf %exp3A, %mul3A_40 : vector<512x512xf32>
    %swap3A = arith.constant 0 : index
    %swap3A_42 = arith.constant 0 : index
    %swap3A_43 = arith.constant 0 : index
    %swap3A_44 = vector.load %arg5[%swap3A, %swap3A_42, %swap3A_43] : memref<2x512x2048xf32, #tpu.memory_space<vmem>>, vector<1x512x512xf32>
    %swap3A_45 = vector.shape_cast %swap3A_44 : vector<1x512x512xf32> to vector<512x512xf32>
    %swap3A_46 = vector.shape_cast %mul3A_41 : vector<512x512xf32> to vector<1x512x512xf32>
    tpu.vector_store %arg5[%swap3A, %swap3A_42, %swap3A_43], %swap3A_46 {strides = array<i32>} : memref<2x512x2048xf32, #tpu.memory_space<vmem>>, vector<1x512x512xf32>,
    %get3A_47 = arith.constant 0 : index
    %get3A_48 = arith.constant 0 : index
    %get3A_49 = vector.load %arg4[%get3A_47, %get3A_48] : memref<2048x128xf32, #tpu.memory_space<vmem>>, vector<512x64xf32>
    %dot_general3A_50 = arith.constant dense<0.000000e+00> : vector<512x64xf32>
    %dot_general3A_51 = tpu.matmul %mul3A_41, %get3A_49, %dot_general3A_50 {dimension_numbers = #tpu.dot_dimension_numbers<[1], [0], [0], [1], [0, 0, 1, 1], [], []>, transpose_lhs_hint = false} : vector<512x512xf32>, vector<512x64xf32>, vector<512x64xf32> -> vector<512x64xf32>
    %mul3A_52 = vector.broadcast %div3A_39 : vector<512x1xf32> to vector<512x512xf32>
    %mul3A_53 = arith.mulf %exp3A_14, %mul3A_52 : vector<512x512xf32>
    %swap3A_54 = arith.constant 0 : index
    %swap3A_55 = arith.constant 0 : index
    %swap3A_56 = arith.constant 512 : index
    %swap3A_57 = vector.load %arg5[%swap3A_54, %swap3A_55, %swap3A_56] : memref<2x512x2048xf32, #tpu.memory_space<vmem>>, vector<1x512x512xf32>
    %swap3A_58 = vector.shape_cast %swap3A_57 : vector<1x512x512xf32> to vector<512x512xf32>
    %swap3A_59 = vector.shape_cast %mul3A_53 : vector<512x512xf32> to vector<1x512x512xf32>
    tpu.vector_store %arg5[%swap3A_54, %swap3A_55, %swap3A_56], %swap3A_59 {strides = array<i32>} : memref<2x512x2048xf32, #tpu.memory_space<vmem>>, vector<1x512x512xf32>,
    %get3A_60 = arith.constant 512 : index
    %get3A_61 = arith.constant 0 : index
    %get3A_62 = vector.load %arg4[%get3A_60, %get3A_61] : memref<2048x128xf32, #tpu.memory_space<vmem>>, vector<512x64xf32>
    %dot_general3A_63 = arith.constant dense<0.000000e+00> : vector<512x64xf32>
    %dot_general3A_64 = tpu.matmul %mul3A_53, %get3A_62, %dot_general3A_63 {dimension_numbers = #tpu.dot_dimension_numbers<[1], [0], [0], [1], [0, 0, 1, 1], [], []>, transpose_lhs_hint = false} : vector<512x512xf32>, vector<512x64xf32>, vector<512x64xf32> -> vector<512x64xf32>
    %add3A_65 = arith.addf %dot_general3A_51, %dot_general3A_64 : vector<512x64xf32>
    %mul3A_66 = vector.broadcast %div3A_39 : vector<512x1xf32> to vector<512x512xf32>
    %mul3A_67 = arith.mulf %exp3A_23, %mul3A_66 : vector<512x512xf32>
    %swap3A_68 = arith.constant 0 : index
    %swap3A_69 = arith.constant 0 : index
    %swap3A_70 = arith.constant 1024 : index
    %swap3A_71 = vector.load %arg5[%swap3A_68, %swap3A_69, %swap3A_70] : memref<2x512x2048xf32, #tpu.memory_space<vmem>>, vector<1x512x512xf32>
    %swap3A_72 = vector.shape_cast %swap3A_71 : vector<1x512x512xf32> to vector<512x512xf32>
    %swap3A_73 = vector.shape_cast %mul3A_67 : vector<512x512xf32> to vector<1x512x512xf32>
    tpu.vector_store %arg5[%swap3A_68, %swap3A_69, %swap3A_70], %swap3A_73 {strides = array<i32>} : memref<2x512x2048xf32, #tpu.memory_space<vmem>>, vector<1x512x512xf32>,
    %get3A_74 = arith.constant 1024 : index
    %get3A_75 = arith.constant 0 : index
    %get3A_76 = vector.load %arg4[%get3A_74, %get3A_75] : memref<2048x128xf32, #tpu.memory_space<vmem>>, vector<512x64xf32>
    %dot_general3A_77 = arith.constant dense<0.000000e+00> : vector<512x64xf32>
    %dot_general3A_78 = tpu.matmul %mul3A_67, %get3A_76, %dot_general3A_77 {dimension_numbers = #tpu.dot_dimension_numbers<[1], [0], [0], [1], [0, 0, 1, 1], [], []>, transpose_lhs_hint = false} : vector<512x512xf32>, vector<512x64xf32>, vector<512x64xf32> -> vector<512x64xf32>
    %add3A_79 = arith.addf %add3A_65, %dot_general3A_78 : vector<512x64xf32>
    %mul3A_80 = vector.broadcast %div3A_39 : vector<512x1xf32> to vector<512x512xf32>
    %mul3A_81 = arith.mulf %exp3A_33, %mul3A_80 : vector<512x512xf32>
    %swap3A_82 = arith.constant 0 : index
    %swap3A_83 = arith.constant 0 : index
    %swap3A_84 = arith.constant 1536 : index
    %swap3A_85 = vector.load %arg5[%swap3A_82, %swap3A_83, %swap3A_84] : memref<2x512x2048xf32, #tpu.memory_space<vmem>>, vector<1x512x512xf32>
    %swap3A_86 = vector.shape_cast %swap3A_85 : vector<1x512x512xf32> to vector<512x512xf32>
    %swap3A_87 = vector.shape_cast %mul3A_81 : vector<512x512xf32> to vector<1x512x512xf32>
    tpu.vector_store %arg5[%swap3A_82, %swap3A_83, %swap3A_84], %swap3A_87 {strides = array<i32>} : memref<2x512x2048xf32, #tpu.memory_space<vmem>>, vector<1x512x512xf32>,
    %get3A_88 = arith.constant 1536 : index
    %get3A_89 = arith.constant 0 : index
    %get3A_90 = vector.load %arg4[%get3A_88, %get3A_89] : memref<2048x128xf32, #tpu.memory_space<vmem>>, vector<512x64xf32>
    %dot_general3A_91 = arith.constant dense<0.000000e+00> : vector<512x64xf32>
    %dot_general3A_92 = tpu.matmul %mul3A_81, %get3A_90, %dot_general3A_91 {dimension_numbers = #tpu.dot_dimension_numbers<[1], [0], [0], [1], [0, 0, 1, 1], [], []>, transpose_lhs_hint = false} : vector<512x512xf32>, vector<512x64xf32>, vector<512x64xf32> -> vector<512x64xf32>
    %add3A_93 = arith.addf %add3A_79, %dot_general3A_92 : vector<512x64xf32>
    %slice3A_94 = vector.extract_strided_slice %mul3A_3 {offsets = [0, 64], sizes = [512, 64], strides = [1, 1]} : vector<512x128xf32> to vector<512x64xf32>
    %get3A_95 = arith.constant 0 : index
    %get3A_96 = arith.constant 64 : index
    %get3A_97 = vector.load %arg3[%get3A_95, %get3A_96] : memref<2048x128xf32, #tpu.memory_space<vmem>>, vector<512x64xf32>
    %dot_general3A_98 = arith.constant dense<0.000000e+00> : vector<512x512xf32>
    %dot_general3A_99 = tpu.matmul %slice3A_94, %get3A_97, %dot_general3A_98 {dimension_numbers = #tpu.dot_dimension_numbers<[1], [1], [0], [0], [0, 0, 1, 0], [], []>, transpose_lhs_hint = false} : vector<512x64xf32>, vector<512x64xf32>, vector<512x512xf32> -> vector<512x512xf32>
    %exp3A_100 = math.exp %dot_general3A_99 : vector<512x512xf32>
    %reduce_sum3A_101 = arith.constant dense<0.000000e+00> : vector<512xf32>
    %reduce_sum3A_102 = vector.multi_reduction <add>, %exp3A_100, %reduce_sum3A_101 [1] : vector<512x512xf32> to vector<512xf32>
    %broadcast_in_dim3A_103 = vector.shape_cast %reduce_sum3A_102 : vector<512xf32> to vector<512x1xf32>
    %get3A_104 = arith.constant 512 : index
    %get3A_105 = arith.constant 64 : index
    %get3A_106 = vector.load %arg3[%get3A_104, %get3A_105] : memref<2048x128xf32, #tpu.memory_space<vmem>>, vector<512x64xf32>
    %dot_general3A_107 = arith.constant dense<0.000000e+00> : vector<512x512xf32>
    %dot_general3A_108 = tpu.matmul %slice3A_94, %get3A_106, %dot_general3A_107 {dimension_numbers = #tpu.dot_dimension_numbers<[1], [1], [0], [0], [0, 0, 1, 0], [], []>, transpose_lhs_hint = false} : vector<512x64xf32>, vector<512x64xf32>, vector<512x512xf32> -> vector<512x512xf32>
    %exp3A_109 = math.exp %dot_general3A_108 : vector<512x512xf32>
    %reduce_sum3A_110 = arith.constant dense<0.000000e+00> : vector<512xf32>
    %reduce_sum3A_111 = vector.multi_reduction <add>, %exp3A_109, %reduce_sum3A_110 [1] : vector<512x512xf32> to vector<512xf32>
    %broadcast_in_dim3A_112 = vector.shape_cast %reduce_sum3A_111 : vector<512xf32> to vector<512x1xf32>
    %add3A_113 = arith.addf %broadcast_in_dim3A_103, %broadcast_in_dim3A_112 : vector<512x1xf32>
    %get3A_114 = arith.constant 1024 : index
    %get3A_115 = arith.constant 64 : index
    %get3A_116 = vector.load %arg3[%get3A_114, %get3A_115] : memref<2048x128xf32, #tpu.memory_space<vmem>>, vector<512x64xf32>
    %dot_general3A_117 = arith.constant dense<0.000000e+00> : vector<512x512xf32>
    %dot_general3A_118 = tpu.matmul %slice3A_94, %get3A_116, %dot_general3A_117 {dimension_numbers = #tpu.dot_dimension_numbers<[1], [1], [0], [0], [0, 0, 1, 0], [], []>, transpose_lhs_hint = false} : vector<512x64xf32>, vector<512x64xf32>, vector<512x512xf32> -> vector<512x512xf32>
    %exp3A_119 = math.exp %dot_general3A_118 : vector<512x512xf32>
    %reduce_sum3A_120 = arith.constant dense<0.000000e+00> : vector<512xf32>
    %reduce_sum3A_121 = vector.multi_reduction <add>, %exp3A_119, %reduce_sum3A_120 [1] : vector<512x512xf32> to vector<512xf32>
    %broadcast_in_dim3A_122 = vector.shape_cast %reduce_sum3A_121 : vector<512xf32> to vector<512x1xf32>
    %add3A_123 = arith.addf %add3A_113, %broadcast_in_dim3A_122 : vector<512x1xf32>
    %get3A_124 = arith.constant 1536 : index
    %get3A_125 = arith.constant 64 : index
    %get3A_126 = vector.load %arg3[%get3A_124, %get3A_125] : memref<2048x128xf32, #tpu.memory_space<vmem>>, vector<512x64xf32>
    %dot_general3A_127 = arith.constant dense<0.000000e+00> : vector<512x512xf32>
    %dot_general3A_128 = tpu.matmul %slice3A_94, %get3A_126, %dot_general3A_127 {dimension_numbers = #tpu.dot_dimension_numbers<[1], [1], [0], [0], [0, 0, 1, 0], [], []>, transpose_lhs_hint = false} : vector<512x64xf32>, vector<512x64xf32>, vector<512x512xf32> -> vector<512x512xf32>
    %exp3A_129 = math.exp %dot_general3A_128 : vector<512x512xf32>
    %reduce_sum3A_130 = arith.constant dense<0.000000e+00> : vector<512xf32>
    %reduce_sum3A_131 = vector.multi_reduction <add>, %exp3A_129, %reduce_sum3A_130 [1] : vector<512x512xf32> to vector<512xf32>
    %broadcast_in_dim3A_132 = vector.shape_cast %reduce_sum3A_131 : vector<512xf32> to vector<512x1xf32>
    %add3A_133 = arith.addf %add3A_123, %broadcast_in_dim3A_132 : vector<512x1xf32>
    %div3A_134 = arith.constant 1.000000e+00 : f32
    %div3A_135 = vector.broadcast %div3A_134 : f32 to vector<512x1xf32>
    %div3A_136 = arith.divf %div3A_135, %add3A_133 : vector<512x1xf32>
    %mul3A_137 = vector.broadcast %div3A_136 : vector<512x1xf32> to vector<512x512xf32>
    %mul3A_138 = arith.mulf %exp3A_100, %mul3A_137 : vector<512x512xf32>
    %swap3A_139 = arith.constant 1 : index
    %swap3A_140 = arith.constant 0 : index
    %swap3A_141 = arith.constant 0 : index
    %swap3A_142 = vector.load %arg5[%swap3A_139, %swap3A_140, %swap3A_141] : memref<2x512x2048xf32, #tpu.memory_space<vmem>>, vector<1x512x512xf32>
    %swap3A_143 = vector.shape_cast %swap3A_142 : vector<1x512x512xf32> to vector<512x512xf32>
    %swap3A_144 = vector.shape_cast %mul3A_138 : vector<512x512xf32> to vector<1x512x512xf32>
    tpu.vector_store %arg5[%swap3A_139, %swap3A_140, %swap3A_141], %swap3A_144 {strides = array<i32>} : memref<2x512x2048xf32, #tpu.memory_space<vmem>>, vector<1x512x512xf32>,
    %get3A_145 = arith.constant 0 : index
    %get3A_146 = arith.constant 64 : index
    %get3A_147 = vector.load %arg4[%get3A_145, %get3A_146] : memref<2048x128xf32, #tpu.memory_space<vmem>>, vector<512x64xf32>
    %dot_general3A_148 = arith.constant dense<0.000000e+00> : vector<512x64xf32>
    %dot_general3A_149 = tpu.matmul %mul3A_138, %get3A_147, %dot_general3A_148 {dimension_numbers = #tpu.dot_dimension_numbers<[1], [0], [0], [1], [0, 0, 1, 1], [], []>, transpose_lhs_hint = false} : vector<512x512xf32>, vector<512x64xf32>, vector<512x64xf32> -> vector<512x64xf32>
    %mul3A_150 = vector.broadcast %div3A_136 : vector<512x1xf32> to vector<512x512xf32>
    %mul3A_151 = arith.mulf %exp3A_109, %mul3A_150 : vector<512x512xf32>
    %swap3A_152 = arith.constant 1 : index
    %swap3A_153 = arith.constant 0 : index
    %swap3A_154 = arith.constant 512 : index
    %swap3A_155 = vector.load %arg5[%swap3A_152, %swap3A_153, %swap3A_154] : memref<2x512x2048xf32, #tpu.memory_space<vmem>>, vector<1x512x512xf32>
    %swap3A_156 = vector.shape_cast %swap3A_155 : vector<1x512x512xf32> to vector<512x512xf32>
    %swap3A_157 = vector.shape_cast %mul3A_151 : vector<512x512xf32> to vector<1x512x512xf32>
    tpu.vector_store %arg5[%swap3A_152, %swap3A_153, %swap3A_154], %swap3A_157 {strides = array<i32>} : memref<2x512x2048xf32, #tpu.memory_space<vmem>>, vector<1x512x512xf32>,
    %get3A_158 = arith.constant 512 : index
    %get3A_159 = arith.constant 64 : index
    %get3A_160 = vector.load %arg4[%get3A_158, %get3A_159] : memref<2048x128xf32, #tpu.memory_space<vmem>>, vector<512x64xf32>
    %dot_general3A_161 = arith.constant dense<0.000000e+00> : vector<512x64xf32>
    %dot_general3A_162 = tpu.matmul %mul3A_151, %get3A_160, %dot_general3A_161 {dimension_numbers = #tpu.dot_dimension_numbers<[1], [0], [0], [1], [0, 0, 1, 1], [], []>, transpose_lhs_hint = false} : vector<512x512xf32>, vector<512x64xf32>, vector<512x64xf32> -> vector<512x64xf32>
    %add3A_163 = arith.addf %dot_general3A_149, %dot_general3A_162 : vector<512x64xf32>
    %mul3A_164 = vector.broadcast %div3A_136 : vector<512x1xf32> to vector<512x512xf32>
    %mul3A_165 = arith.mulf %exp3A_119, %mul3A_164 : vector<512x512xf32>
    %swap3A_166 = arith.constant 1 : index
    %swap3A_167 = arith.constant 0 : index
    %swap3A_168 = arith.constant 1024 : index
    %swap3A_169 = vector.load %arg5[%swap3A_166, %swap3A_167, %swap3A_168] : memref<2x512x2048xf32, #tpu.memory_space<vmem>>, vector<1x512x512xf32>
    %swap3A_170 = vector.shape_cast %swap3A_169 : vector<1x512x512xf32> to vector<512x512xf32>
    %swap3A_171 = vector.shape_cast %mul3A_165 : vector<512x512xf32> to vector<1x512x512xf32>
    tpu.vector_store %arg5[%swap3A_166, %swap3A_167, %swap3A_168], %swap3A_171 {strides = array<i32>} : memref<2x512x2048xf32, #tpu.memory_space<vmem>>, vector<1x512x512xf32>,
    %get3A_172 = arith.constant 1024 : index
    %get3A_173 = arith.constant 64 : index
    %get3A_174 = vector.load %arg4[%get3A_172, %get3A_173] : memref<2048x128xf32, #tpu.memory_space<vmem>>, vector<512x64xf32>
    %dot_general3A_175 = arith.constant dense<0.000000e+00> : vector<512x64xf32>
    %dot_general3A_176 = tpu.matmul %mul3A_165, %get3A_174, %dot_general3A_175 {dimension_numbers = #tpu.dot_dimension_numbers<[1], [0], [0], [1], [0, 0, 1, 1], [], []>, transpose_lhs_hint = false} : vector<512x512xf32>, vector<512x64xf32>, vector<512x64xf32> -> vector<512x64xf32>
    %add3A_177 = arith.addf %add3A_163, %dot_general3A_176 : vector<512x64xf32>
    %mul3A_178 = vector.broadcast %div3A_136 : vector<512x1xf32> to vector<512x512xf32>
    %mul3A_179 = arith.mulf %exp3A_129, %mul3A_178 : vector<512x512xf32>
    %swap3A_180 = arith.constant 1 : index
    %swap3A_181 = arith.constant 0 : index
    %swap3A_182 = arith.constant 1536 : index
    %swap3A_183 = vector.load %arg5[%swap3A_180, %swap3A_181, %swap3A_182] : memref<2x512x2048xf32, #tpu.memory_space<vmem>>, vector<1x512x512xf32>
    %swap3A_184 = vector.shape_cast %swap3A_183 : vector<1x512x512xf32> to vector<512x512xf32>
    %swap3A_185 = vector.shape_cast %mul3A_179 : vector<512x512xf32> to vector<1x512x512xf32>
    tpu.vector_store %arg5[%swap3A_180, %swap3A_181, %swap3A_182], %swap3A_185 {strides = array<i32>} : memref<2x512x2048xf32, #tpu.memory_space<vmem>>, vector<1x512x512xf32>,
    %get3A_186 = arith.constant 1536 : index
    %get3A_187 = arith.constant 64 : index
    %get3A_188 = vector.load %arg4[%get3A_186, %get3A_187] : memref<2048x128xf32, #tpu.memory_space<vmem>>, vector<512x64xf32>
    %dot_general3A_189 = arith.constant dense<0.000000e+00> : vector<512x64xf32>
    %dot_general3A_190 = tpu.matmul %mul3A_179, %get3A_188, %dot_general3A_189 {dimension_numbers = #tpu.dot_dimension_numbers<[1], [0], [0], [1], [0, 0, 1, 1], [], []>, transpose_lhs_hint = false} : vector<512x512xf32>, vector<512x64xf32>, vector<512x64xf32> -> vector<512x64xf32>
    %add3A_191 = arith.addf %add3A_177, %dot_general3A_190 : vector<512x64xf32>
    %concatenate3A = tpu.concatenate %add3A_93, %add3A_191 in 1 : vector<512x64xf32>, vector<512x64xf32> -> vector<512x128xf32>
    %swap3A_192 = arith.constant 0 : index
    %swap3A_193 = arith.constant 0 : index
    %swap3A_194 = vector.load %arg6[%swap3A_192, %swap3A_193] : memref<512x128xf32, #tpu.memory_space<vmem>>, vector<512x128xf32>
    tpu.vector_store %arg6[%swap3A_192, %swap3A_193], %concatenate3A {strides = array<i32>} : memref<512x128xf32, #tpu.memory_space<vmem>>, vector<512x128xf32>,
    return
  }
  func.func @transform_0(%arg0: i32, %arg1: i32) -> (i32, i32) {
    %c0_i32 = arith.constant 0 : i32
    return %arg1, %arg0 : i32, i32
  }
  func.func @transform_1(%arg0: i32, %arg1: i32) -> (i32, i32) {
    %c0_i32 = arith.constant 0 : i32
    %c0_i32_0 = arith.constant 0 : i32
    return %c0_i32, %arg0 : i32, i32
  }
  func.func @transform_2(%arg0: i32, %arg1: i32) -> (i32, i32) {
    %c0_i32 = arith.constant 0 : i32
    %c0_i32_0 = arith.constant 0 : i32
    return %c0_i32, %arg0 : i32, i32
  }
  func.func @transform_3(%arg0: i32, %arg1: i32) -> (i32, i32, i32) {
    %c0_i32 = arith.constant 0 : i32
    %c0_i32_0 = arith.constant 0 : i32
    return %arg0, %arg1, %c0_i32 : i32, i32, i32
  }
  func.func @transform_4(%arg0: i32, %arg1: i32) -> (i32, i32) {
    %c0_i32 = arith.constant 0 : i32
    return %arg1, %arg0 : i32, i32
  }
}

module attributes {stable_mosaic.version = 14 : i64} {
  func.func @_ffn_body(%arg0: i32, %arg1: i32, %arg2: memref<40x768xf32, #tpu.memory_space<vmem>>, %arg3: memref<1x768x1536xf32, #tpu.memory_space<vmem>>, %arg4: memref<1x1x1536xf32, #tpu.memory_space<vmem>>, %arg5: memref<1x1536x768xf32, #tpu.memory_space<vmem>>, %arg6: memref<1x1x768xf32, #tpu.memory_space<vmem>>, %arg7: memref<40x768xf32, #tpu.memory_space<vmem>>) attributes {dimension_semantics = [#tpu.dimension_semantics<parallel>, #tpu.dimension_semantics<arbitrary>], iteration_bounds = array<i64: 64, 2>, scalar_prefetch = 0 : i64, scratch_operands = 0 : i64, tpu.core_type = #tpu.core_type<tc>, window_params = [{transform_indices = @transform_0, window_bounds = array<i64: 40, 768>}, {transform_indices = @transform_1, window_bounds = array<i64: 1, 768, 1536>}, {transform_indices = @transform_2, window_bounds = array<i64: 1, 1, 1536>}, {transform_indices = @transform_3, window_bounds = array<i64: 1, 1536, 768>}, {transform_indices = @transform_4, window_bounds = array<i64: 1, 1, 768>}, {transform_indices = @transform_5, window_bounds = array<i64: 40, 768>}]} {
    %get3A = arith.constant 0 : index
    %get3A_0 = arith.constant 0 : index
    %get3A_1 = vector.load %arg2[%get3A, %get3A_0] : memref<40x768xf32, #tpu.memory_space<vmem>>, vector<40x768xf32>
    %get3A_2 = arith.constant 0 : index
    %get3A_3 = arith.constant 0 : index
    %get3A_4 = arith.constant 0 : index
    %get3A_5 = vector.load %arg3[%get3A_2, %get3A_3, %get3A_4] : memref<1x768x1536xf32, #tpu.memory_space<vmem>>, vector<1x768x1536xf32>
    %get3A_6 = vector.shape_cast %get3A_5 : vector<1x768x1536xf32> to vector<768x1536xf32>
    %dot_general3A = arith.constant dense<0.000000e+00> : vector<40x1536xf32>
    %dot_general3A_7 = tpu.matmul %get3A_1, %get3A_6, %dot_general3A {dimension_numbers = #tpu.dot_dimension_numbers<[1], [0], [0], [1], [0, 0, 1, 1], [], []>, transpose_lhs_hint = false} : vector<40x768xf32>, vector<768x1536xf32>, vector<40x1536xf32> -> vector<40x1536xf32>
    %get3A_8 = arith.constant 0 : index
    %get3A_9 = arith.constant 0 : index
    %get3A_10 = arith.constant 0 : index
    %get3A_11 = vector.load %arg4[%get3A_8, %get3A_9, %get3A_10] : memref<1x1x1536xf32, #tpu.memory_space<vmem>>, vector<1x1x1536xf32>
    %get3A_12 = vector.shape_cast %get3A_11 : vector<1x1x1536xf32> to vector<1x1536xf32>
    %add3A = vector.broadcast %get3A_12 : vector<1x1536xf32> to vector<40x1536xf32>
    %add3A_13 = arith.addf %dot_general3A_7, %add3A : vector<40x1536xf32>
    %max3A = arith.constant 0.000000e+00 : f32
    %max3A_14 = vector.broadcast %max3A : f32 to vector<40x1536xf32>
    %max3A_15 = arith.maximumf %add3A_13, %max3A_14 : vector<40x1536xf32>
    %get3A_16 = arith.constant 0 : index
    %get3A_17 = arith.constant 0 : index
    %get3A_18 = arith.constant 0 : index
    %get3A_19 = vector.load %arg5[%get3A_16, %get3A_17, %get3A_18] : memref<1x1536x768xf32, #tpu.memory_space<vmem>>, vector<1x1536x768xf32>
    %get3A_20 = vector.shape_cast %get3A_19 : vector<1x1536x768xf32> to vector<1536x768xf32>
    %dot_general3A_21 = arith.constant dense<0.000000e+00> : vector<40x768xf32>
    %dot_general3A_22 = tpu.matmul %max3A_15, %get3A_20, %dot_general3A_21 {dimension_numbers = #tpu.dot_dimension_numbers<[1], [0], [0], [1], [0, 0, 1, 1], [], []>, transpose_lhs_hint = false} : vector<40x1536xf32>, vector<1536x768xf32>, vector<40x768xf32> -> vector<40x768xf32>
    %eq3A = arith.constant 0 : i32
    %eq3A_23 = arith.cmpi eq, %arg1, %eq3A : i32
    %convert_element_type3A = arith.extui %eq3A_23 : i1 to i32
    %cond3A = arith.constant 0 : i32
    %cond3A_24 = arith.cmpi ne, %convert_element_type3A, %cond3A : i32
    scf.if %cond3A_24 {
      %get3A_29 = arith.constant 0 : index
      %get3A_30 = arith.constant 0 : index
      %get3A_31 = arith.constant 0 : index
      %get3A_32 = vector.load %arg6[%get3A_29, %get3A_30, %get3A_31] : memref<1x1x768xf32, #tpu.memory_space<vmem>>, vector<1x1x768xf32>
      %get3A_33 = vector.shape_cast %get3A_32 : vector<1x1x768xf32> to vector<1x768xf32>
      %add3A_34 = vector.broadcast %get3A_33 : vector<1x768xf32> to vector<40x768xf32>
      %add3A_35 = arith.addf %dot_general3A_22, %add3A_34 : vector<40x768xf32>
      %swap3A = arith.constant 0 : index
      %swap3A_36 = arith.constant 0 : index
      %swap3A_37 = vector.load %arg7[%swap3A, %swap3A_36] : memref<40x768xf32, #tpu.memory_space<vmem>>, vector<40x768xf32>
      tpu.vector_store %arg7[%swap3A, %swap3A_36], %add3A_35 {strides = array<i32>} : memref<40x768xf32, #tpu.memory_space<vmem>>, vector<40x768xf32>,
    } else {
    }
    %ne3A = arith.constant 0 : i32
    %ne3A_25 = arith.cmpi ne, %arg1, %ne3A : i32
    %convert_element_type3A_26 = arith.extui %ne3A_25 : i1 to i32
    %cond3A_27 = arith.constant 0 : i32
    %cond3A_28 = arith.cmpi ne, %convert_element_type3A_26, %cond3A_27 : i32
    scf.if %cond3A_28 {
      %get3A_29 = arith.constant 0 : index
      %get3A_30 = arith.constant 0 : index
      %get3A_31 = vector.load %arg7[%get3A_29, %get3A_30] : memref<40x768xf32, #tpu.memory_space<vmem>>, vector<40x768xf32>
      %add3A_32 = arith.addf %get3A_31, %dot_general3A_22 : vector<40x768xf32>
      %swap3A = arith.constant 0 : index
      %swap3A_33 = arith.constant 0 : index
      %swap3A_34 = vector.load %arg7[%swap3A, %swap3A_33] : memref<40x768xf32, #tpu.memory_space<vmem>>, vector<40x768xf32>
      tpu.vector_store %arg7[%swap3A, %swap3A_33], %add3A_32 {strides = array<i32>} : memref<40x768xf32, #tpu.memory_space<vmem>>, vector<40x768xf32>,
    } else {
    }
    return
  }
  func.func @transform_0(%arg0: i32, %arg1: i32) -> (i32, i32) {
    %c0_i32 = arith.constant 0 : i32
    %c0_i32_0 = arith.constant 0 : i32
    return %arg0, %c0_i32 : i32, i32
  }
  func.func @transform_1(%arg0: i32, %arg1: i32) -> (i32, i32, i32) {
    %c0_i32 = arith.constant 0 : i32
    %c0_i32_0 = arith.constant 0 : i32
    return %arg0, %c0_i32, %arg1 : i32, i32, i32
  }
  func.func @transform_2(%arg0: i32, %arg1: i32) -> (i32, i32, i32) {
    %c0_i32 = arith.constant 0 : i32
    %c0_i32_0 = arith.constant 0 : i32
    return %arg0, %c0_i32, %arg1 : i32, i32, i32
  }
  func.func @transform_3(%arg0: i32, %arg1: i32) -> (i32, i32, i32) {
    %c0_i32 = arith.constant 0 : i32
    %c0_i32_0 = arith.constant 0 : i32
    return %arg0, %arg1, %c0_i32 : i32, i32, i32
  }
  func.func @transform_4(%arg0: i32, %arg1: i32) -> (i32, i32, i32) {
    %c0_i32 = arith.constant 0 : i32
    %c0_i32_0 = arith.constant 0 : i32
    %c0_i32_1 = arith.constant 0 : i32
    return %arg0, %c0_i32, %c0_i32_0 : i32, i32, i32
  }
  func.func @transform_5(%arg0: i32, %arg1: i32) -> (i32, i32) {
    %c0_i32 = arith.constant 0 : i32
    %c0_i32_0 = arith.constant 0 : i32
    return %arg0, %c0_i32 : i32, i32
  }
}

module attributes {stable_mosaic.version = 14 : i64} {
  func.func @_final_body(%arg0: i32, %arg1: memref<512x768xf32, #tpu.memory_space<vmem>>, %arg2: memref<512x768xf32, #tpu.memory_space<vmem>>, %arg3: memref<512x1xf32, #tpu.memory_space<vmem>>, %arg4: memref<512x1xf32, #tpu.memory_space<vmem>>, %arg5: memref<512x768xf32, #tpu.memory_space<vmem>>) attributes {dimension_semantics = [#tpu.dimension_semantics<parallel>], iteration_bounds = array<i64: 4>, scalar_prefetch = 0 : i64, scratch_operands = 0 : i64, tpu.core_type = #tpu.core_type<tc>, window_params = [{transform_indices = @transform_0, window_bounds = array<i64: 512, 768>}, {transform_indices = @transform_1, window_bounds = array<i64: 512, 768>}, {transform_indices = @transform_2, window_bounds = array<i64: 512, 1>}, {transform_indices = @transform_3, window_bounds = array<i64: 512, 1>}, {transform_indices = @transform_4, window_bounds = array<i64: 512, 768>}]} {
    %get3A = arith.constant 0 : index
    %get3A_0 = arith.constant 0 : index
    %get3A_1 = vector.load %arg4[%get3A, %get3A_0] : memref<512x1xf32, #tpu.memory_space<vmem>>, vector<512x1xf32>
    %gt3A = arith.constant 0.000000e+00 : f32
    %gt3A_2 = vector.broadcast %gt3A : f32 to vector<512x1xf32>
    %gt3A_3 = arith.cmpf ogt, %get3A_1, %gt3A_2 : vector<512x1xf32>
    %get3A_4 = arith.constant 0 : index
    %get3A_5 = arith.constant 0 : index
    %get3A_6 = vector.load %arg3[%get3A_4, %get3A_5] : memref<512x1xf32, #tpu.memory_space<vmem>>, vector<512x1xf32>
    %get3A_7 = arith.constant 0 : index
    %get3A_8 = arith.constant 0 : index
    %get3A_9 = vector.load %arg2[%get3A_7, %get3A_8] : memref<512x768xf32, #tpu.memory_space<vmem>>, vector<512x768xf32>
    %mul3A = vector.broadcast %get3A_6 : vector<512x1xf32> to vector<512x768xf32>
    %mul3A_10 = arith.mulf %mul3A, %get3A_9 : vector<512x768xf32>
    %jit3A = arith.constant 0.000000e+00 : f32
    %broadcast_in_dim3A = vector.shape_cast %gt3A_3 : vector<512x1xi1> to vector<512x1xi1>
    %broadcast_in_dim3A_11 = vector.broadcast %broadcast_in_dim3A : vector<512x1xi1> to vector<512x768xi1>
    %broadcast_in_dim3A_12 = vector.broadcast %jit3A : f32 to vector<512x768xf32>
    %select_n3A = arith.select %broadcast_in_dim3A_11, %mul3A_10, %broadcast_in_dim3A_12 : vector<512x768xi1>, vector<512x768xf32>
    %get3A_13 = arith.constant 0 : index
    %get3A_14 = arith.constant 0 : index
    %get3A_15 = vector.load %arg1[%get3A_13, %get3A_14] : memref<512x768xf32, #tpu.memory_space<vmem>>, vector<512x768xf32>
    %add3A = arith.addf %get3A_15, %select_n3A : vector<512x768xf32>
    %swap3A = arith.constant 0 : index
    %swap3A_16 = arith.constant 0 : index
    %swap3A_17 = vector.load %arg5[%swap3A, %swap3A_16] : memref<512x768xf32, #tpu.memory_space<vmem>>, vector<512x768xf32>
    tpu.vector_store %arg5[%swap3A, %swap3A_16], %add3A {strides = array<i32>} : memref<512x768xf32, #tpu.memory_space<vmem>>, vector<512x768xf32>,
    return
  }
  func.func @transform_0(%arg0: i32) -> (i32, i32) {
    %c0_i32 = arith.constant 0 : i32
    %c0_i32_0 = arith.constant 0 : i32
    return %arg0, %c0_i32 : i32, i32
  }
  func.func @transform_1(%arg0: i32) -> (i32, i32) {
    %c0_i32 = arith.constant 0 : i32
    %c0_i32_0 = arith.constant 0 : i32
    return %arg0, %c0_i32 : i32, i32
  }
  func.func @transform_2(%arg0: i32) -> (i32, i32) {
    %c0_i32 = arith.constant 0 : i32
    %c0_i32_0 = arith.constant 0 : i32
    return %arg0, %c0_i32 : i32, i32
  }
  func.func @transform_3(%arg0: i32) -> (i32, i32) {
    %c0_i32 = arith.constant 0 : i32
    %c0_i32_0 = arith.constant 0 : i32
    return %arg0, %c0_i32 : i32, i32
  }
  func.func @transform_4(%arg0: i32) -> (i32, i32) {
    %c0_i32 = arith.constant 0 : i32
    %c0_i32_0 = arith.constant 0 : i32
    return %arg0, %c0_i32 : i32, i32
  }
}

</mosaic_0001>

<sc_bundles>
// kernel: kernel.12.cloned.1.call-start
scs
__scs_entry_jumppad:
0x0: {  	(pc) =	sbr.rel $0x88, $3  }
0x1: {  	(tag) =	ssettag $0x0;
	lr =	simm.s32 $0x1  }
0x2: {  	[smem:$0x3F8F] =	sst lr;
	_ =	strace $0xD0000000  }
0x3: {  	_ = 	snop  }
0x4: {  	_ = 	snop  }
0x5: {  	_ = 	snop  }
0x6: {  	_ = 	snop  }
0x7: {  	_ = 	snop  }
__scs_overlays_trampoline_lowered:
0x8: {  	[smem:$0x3F9E] =	sst s0  }
0x9: {  	[smem:$0x3F9F] =	sst s1  }
0xa: {  	[smem:$0x3FA0] =	sst s2  }
0xb: {  	[smem:$0x3FA1] =	sst s3  }
0xc: {  	[smem:$0x3FA2] =	sst s4  }
0xd: {  	[smem:$0x3FA3] =	sst s5  }
0xe: {  	[smem:$0x3FA4] =	sst s6  }
0xf: {  	[smem:$0x3FA5] =	sst s7  }
0x10: {  	[smem:$0x3FA6] =	sst s8  }
0x11: {  	[smem:$0x3FA7] =	sst s9;
	s0 =	simm.s32 @!p0 $0x0  }
0x12: {  	s1 =	sld [smem:$0x3F8D];
	s0 =	simm.s32 @p0 $0x1  }
0x13: {  	[smem:$0x3FA8] =	sst s0;
	s0 =	simm.s32 @!p1 $0x0  }
0x14: {  	s2 =	sld [smem:$0x3F8C];
	s0 =	simm.s32 @p1 $0x1  }
0x15: {  	[smem:$0x3FA9] =	sst s0;
	s0 =	simm.s32 @!p2 $0x0  }
0x16: {  	s3 =	sld [smem:$0x3FDB];
	s0 =	simm.s32 @p2 $0x1  }
0x17: {  	s4 =	simm.s32 $0x1BF5;
	[smem:$0x3FAB] =	sst s0  }
0x18: {  	s0 =	sld [smem:$0x3F8E];
	_ =	swait.ge [sflag:s4], $0x0  }
0x19: {  	s7 =	sld [smem:$0x3F8F]  }
0x1a: {  	s8 =	sadd.s32 $0xFFFFE003, lr  }
0x1b: {  	s9 =	sadd.s32 $0xFFFFFEF7, lr;
	s5 =	simm.s32 $0xFFFFFFFF;
	p2 =	slt.u32 s8, $0xFFFFF086  }
0x1c: {  	p1 =	slt.u32 s9, $0xF7A;
	s5 =	simm.s32 @!p2 $0x0  }
0x1d: {  	s5 =	simm.s32 @p1 $0x1;
	p0 =	seq.s32 s7, s2  }
0x1e: {  	s7 =	smul.u32 @!p0 $0xF7A, s2;
	p2 =	seq.s32 @!p0 s5, $0x0  }
0x1f: {  	s9 =	smul.u32 $0xF7A, s1;
	s8 =	simm.s32 @!p0 $0x1BF5;
	p2 =	por !p2, p0  }
0x20: {  	[sflag:s8] =	ssyncset.s32 @!p0 $0xFFFFF086;
	s6 =	sadd.s32 @!p0 s3, s7;
	s7 =	simm.s32 @!p0 $0x108  }
0x21: {  	s3 =	sadd.s32 s3, s9;
	s6 =	sadd.s32 @!p0 $0x88, s6;
	s7 =	simm.s32 @p2 $0x1082  }
0x22: {  	[simem:s7], [sflag:s8] =	dma.local @!p0 [hbm:s6], $0xF7A  }
0x23: {  	s9 =	sor.u32 $0xD0000000, s2;
	s6 =	simm.s32 $0x108;
	_ =	swait.ge @!p0 [sflag:s8], $0x0  }
0x24: {  	s3 =	sadd.s32 $0x88, s3;
	s6 =	simm.s32 @!p1 $0x1082;
	[sflag:s4] =	ssyncset.s32 $0xFFFFF086  }
0x25: {  	[simem:s6], [sflag:s4] =	dma.local [hbm:s3], $0xF7A  }
0x26: {  	[smem:$0x3F8F] =	sst s1;
	(tag) =	ssettag s2;
	_ =	strace s9  }
0x27: {  	s1 =	sld [smem:$0x3F9F]  }
0x28: {  	s2 =	sld [smem:$0x3FA0]  }
0x29: {  	s4 =	sld [smem:$0x3FA2]  }
0x2a: {  	p0 =	seq.s32 s5, $0x0;
	s5 =	sld [smem:$0x3FA3]  }
0x2b: {  	s6 =	sld [smem:$0x3FA4]  }
0x2c: {  	s7 =	sld [smem:$0x3FA5]  }
0x2d: {  	s3 =	simm.s32 $0x108;
	s8 =	sld [smem:$0x3FA6]  }
0x2e: {  	s3 =	simm.s32 @!p0 $0x1082;
	s9 =	sld [smem:$0x3FA7]  }
0x2f: {  	lr =	sadd.s32 s0, s3;
	s0 =	sld [smem:$0x3F9E]  }
0x30: {  	s3 =	sld [smem:$0x3FA1]  }
0x31: {  	[smem:$0x3FAA] =	sst s10  }
0x32: {  	s10 =	sld [smem:$0x3FA8];
	_ =	sdelay $0x3  }
0x33: {  	p0 =	seq.s32 s10, $0x1;
	s10 =	sld [smem:$0x3FAA];
	_ =	sdelay $0x3  }
0x34: {  	[smem:$0x3FAA] =	sst s10  }
0x35: {  	s10 =	sld [smem:$0x3FA9];
	_ =	sdelay $0x3  }
0x36: {  	p1 =	seq.s32 s10, $0x1;
	s10 =	sld [smem:$0x3FAA];
	_ =	sdelay $0x3  }
0x37: {  	[smem:$0x3FAA] =	sst s10  }
0x38: {  	s10 =	sld [smem:$0x3FAB]  }
0x39: {  	_ = 	snop;
	(pc) =	sbr.ind lr, $3  }
0x3a: {  	_ = 	snop  }
0x3b: {  	_ = 	snop  }
0x3c: {  	p2 =	seq.s32 s10, $0x1;
	s10 =	sld [smem:$0x3FAA]  }
0x3d: {  	_ =	shalt  }
0x3e: {  	_ =	shalt  }
0x3f: {  	_ =	shalt  }
0x40: {  	_ =	shalt  }
0x41: {  	_ =	shalt  }
0x42: {  	_ =	shalt  }
0x43: {  	_ =	shalt  }
0x44: {  	_ =	shalt  }
0x45: {  	_ =	shalt  }
0x46: {  	_ =	shalt  }
0x47: {  	_ =	shalt  }
0x48: {  	_ =	shalt  }
0x49: {  	_ =	shalt  }
0x4a: {  	_ =	shalt  }
0x4b: {  	_ =	shalt  }
0x4c: {  	_ =	shalt  }
0x4d: {  	_ =	shalt  }
0x4e: {  	_ =	shalt  }
0x4f: {  	_ =	shalt  }
0x50: {  	_ =	shalt  }
0x51: {  	_ =	shalt  }
0x52: {  	_ =	shalt  }
0x53: {  	_ =	shalt  }
0x54: {  	_ =	shalt  }
0x55: {  	_ =	shalt  }
0x56: {  	_ =	shalt  }
0x57: {  	_ =	shalt  }
0x58: {  	_ =	shalt  }
0x59: {  	_ =	shalt  }
0x5a: {  	_ =	shalt  }
0x5b: {  	_ =	shalt  }
0x5c: {  	_ =	shalt  }
0x5d: {  	_ =	shalt  }
0x5e: {  	_ =	shalt  }
0x5f: {  	_ =	shalt  }
0x60: {  	_ =	shalt  }
0x61: {  	_ =	shalt  }
0x62: {  	_ =	shalt  }
0x63: {  	_ =	shalt  }
0x64: {  	_ =	shalt  }
0x65: {  	_ =	shalt  }
0x66: {  	_ =	shalt  }
0x67: {  	_ =	shalt  }
0x68: {  	_ =	shalt  }
0x69: {  	_ =	shalt  }
0x6a: {  	_ =	shalt  }
0x6b: {  	_ =	shalt  }
0x6c: {  	_ =	shalt  }
0x6d: {  	_ =	shalt  }
0x6e: {  	_ =	shalt  }
0x6f: {  	_ =	shalt  }
0x70: {  	_ =	shalt  }
0x71: {  	_ =	shalt  }
0x72: {  	_ =	shalt  }
0x73: {  	_ =	shalt  }
0x74: {  	_ =	shalt  }
0x75: {  	_ =	shalt  }
0x76: {  	_ =	shalt  }
0x77: {  	_ =	shalt  }
0x78: {  	_ =	shalt  }
0x79: {  	_ =	shalt  }
0x7a: {  	_ =	shalt  }
0x7b: {  	_ =	shalt  }
0x7c: {  	_ =	shalt  }
0x7d: {  	_ =	shalt  }
0x7e: {  	_ =	shalt  }
0x7f: {  	_ =	shalt  }
0x80: {  	_ =	shalt  }
0x81: {  	_ =	shalt  }
0x82: {  	_ =	shalt  }
0x83: {  	_ =	shalt  }
0x84: {  	_ =	shalt  }
0x85: {  	_ =	shalt  }
0x86: {  	_ =	shalt  }
0x87: {  	_ =	shalt  }
.Lfunc_end0:
.L_simem_size_0:
called_computation.1_lowered:
.L_overlay_start_0:
0x88: {  	s2 =	sld [smem:$0x3FD9]  }
0x89: {  	s3 =	sld [smem:$0x3FFE];
	_ =	sdelay $0x1  }
0x8a: {  	s1 =	srdreg.scid  }
0x8b: {  	s0 =	sand.u32 $0x1, s1  }
0x8c: {  	s16 =	sshll.u32 s0, $0xA;
	s2 =	sadd.s32 s3, s2  }
0x8d: {  	s2 =	sadd.s32 s2, s16  }
0x8e: {  	[smem:$0x3FB6] =	sst s2  }
0x8f: {  	_ = 	snop  }
0x90: {  	(tm) =	ssettm $0x1  }
0x91: {  	s17 =	sld [smem:$0x3FFB];
	_ =	sdelay $0x3  }
0x92: {  	_ =	strace s17  }
0x93: {  	s2 =	sld [smem:$0x3FFC];
	_ =	sdelay $0x3  }
0x94: {  	_ =	strace s2  }
0x95: {  	s2 =	sld [smem:$0x3FFD];
	_ =	sdelay $0x3  }
0x96: {  	_ =	strace s2  }
0x97: {  	_ =	strace $0x8FFFFFFF  }
0x98: {  	s18 =	sld [smem:$0x3FDB];
	_ =	sdelay $0x1  }
0x99: {  	s19 =	simm.s32 $_scs_section_size  }
0x9a: {  	s4 =	simm.s32 $_size__tile_overlayer_lowered;
	s5 =	simm.s32 $_tile_overlayer_lowered  }
0x9b: {  	s22 =	simm.s32 $0x1BFF;
	s21 =	sshll.u32 s5, $0x1;
	s2 =	sadd.s32 s19, s18  }
0x9c: {  	s6 =	simm.s32 $0x0;
	s20 =	sshll.u32 s4, $0x1;
	s4 =	sadd.s32 s21, s2  }
0x9d: {  	[timem:s6], [sflag:s22] =	dma.local [hbm:s4], s20  }
0x9e: {  	_ =	swait.ge [sflag:s22], s20  }
0x9f: {  	s3 =	ssub.s32 $0x0, s20;
	[sflag:s22] =	ssyncset.done $0x0  }
0xa0: {  	[sflag:s22] =	ssyncadd.s32 s3;
	_ =	sdelay $0x1  }
0xa1: {  	s23 =	simm.s32 $0x1B8B  }
0xa2: {  	_ =	swait.ge [sflag:s23], $0x1  }
0xa3: {  	[sflag:s23] =	ssyncset.done $0x0  }
0xa4: {  	s25 =	simm.s32 $0x1B8E;
	s24 =	sld [smem:$0x3FFE];
	[sflag:s23] =	ssyncadd.s32 $0xFFFFFFFF  }
0xa5: {  	s26 =	simm.s32 $execute0_lowered;
	[smem:$0x3FD2] =	sst s25  }
0xa6: {  	s4 =	sshll.u32 s26, $0x1;
	_ =	strace $0x80000049;
	[dreg:$0x1] =	wrdreg $0xFFFFFFFF  }
0xa7: {  	s28 =	simm.s32 $_size_execute0_lowered;
	s2 =	sadd.s32 s2, s4;
	[dreg:$0x0] =	wrdreg $0x0  }
0xa8: {  	s4 =	sshll.u32 s28, $0x1;
	[dreg:$0x2] =	wrdreg s2  }
0xa9: {  	[dreg:$0x3] =	wrdreg s4  }
0xaa: {  	[dreg:$0x4] =	wrdreg $0xC0  }
0xab: {  	_ =	task [dreg:s6], $0x5FFFF  }
0xac: {  	[dreg:$0x1] =	wrdreg $0xFFFFFFFF  }
0xad: {  	[dreg:$0x0] =	wrdreg $0x60  }
0xae: {  	[dreg:$0x2] =	wrdreg s24  }
0xaf: {  	[dreg:$0x3] =	wrdreg $0x9  }
0xb0: {  	_ =	task.clear_ibuf [dreg:s6], $0x4FFFF;
	_ =	strace $0x90000049  }
0xb1: {  	s29 =	simm.s32 $0x9;
	_ =	strace $0x8000004B  }
0xb2: {  	_ =	swait.ge [sflag:s29], $0x1  }
0xb3: {  	[sflag:s29] =	ssyncadd.s32 $0xFFFFFFFF  }
0xb4: {  	_ =	strace $0x9000004B  }
0xb5: {  	_ =	sfence  }
0xb6: {  	s30 =	sld [smem:$0x0];
	_ =	sdelay $0x2  }
0xb7: {  	s31 =	sshll.u32 s1, $0xD;
	s1 =	sshrl.u32 s1, $0x2  }
0xb8: {  	s3 =	sand.u32 $0x4000, s31;
	s1 =	sadd.s32 s1, s30  }
0xb9: {  	s0 =	sor.u32 s3, s0;
	s1 =	sshll.u32 s1, $0x11  }
0xba: {  	s0 =	sor.u32 s1, s0  }
0xbb: {  	s0 =	sadd.s32 $0x8F2B, s0  }
0xbc: {  	[sflag:s0] =	ssyncadd.remote.s32 $0x1  }
0xbd: {  	_ =	sfence.sel $0xFFFF  }
0xbe: {  	[dreg:$0x0] =	wrdreg $0xFFFFFFFF;
	(pc) =	sbr.abs _section_cstart, $3  }
0xbf: {  	[dreg:$0x1] =	wrdreg $0xFFFFFFFF  }
0xc0: {  	_ =	task.clear_ibuf [dreg:s6], $0x2FFFF;
	_ =	strace $0x9FFFFFFF  }
0xc1: {  	(tm) =	ssettm $0x7FFFFFFF  }
tec
execute0_lowered:
.L_overlay_start_1:
0x0: {  	(tag) =	ssettag $0x1  }
0x1: {  	s0 =	rddreg [dreg:$0x0]  }
0x2: {  	s3 =	srdreg.scid;
	s1 =	stileid.u32;
	s2 =	simm.s32 $0x0  }
0x3: {  	s23 =	simm.s32 $0x900;
	s24 =	simm.s32 $0x1100;
	s25 =	simm.s32 $0x1900  }
0x4: {  	s26 =	simm.s32 $0x2100;
	s10 =	simm.s32 $0x3100;
	s11 =	simm.s32 $0x3900  }
0x5: {  	s12 =	simm.s32 $0x4100;
	s13 =	simm.s32 $0x4900;
	s14 =	simm.s32 $0x5100  }
0x6: {  	s15 =	simm.s32 $0x5900;
	s16 =	simm.s32 $0x6100;
	s17 =	simm.s32 $0x6900  }
0x7: {  	s18 =	simm.s32 $0x7100;
	s19 =	simm.s32 $0x7900;
	s28 =	simm.s32 $0xB900  }
0x8: {  	s29 =	simm.s32 $0x1;
	s30 =	simm.s32 $0x2;
	[smem:$0x7FF] =	sst s2  }
0x9: {  	s31 =	simm.s32 $0x3;
	_ =	strace $0x8000004A;
	[dreg:$0x5] =	wrdreg s23  }
0xa: {  	s4 =	sand.u32 $0x1, s3;
	s20 =	sshll.u32 s1, $0x1;
	[dreg:$0x6] =	wrdreg s24  }
0xb: {  	s3 =	sadd.s32 $0x43000, s0;
	s8 =	sadd.s32 $0x2C00, s0;
	[dreg:$0x7] =	wrdreg s25  }
0xc: {  	s5 =	sor.u32 s4, s20;
	s4 =	ssub.s32 $0x2, s4;
	[dreg:$0x8] =	wrdreg s26  }
0xd: {  	s20 =	simm.s32 $0x8100;
	s23 =	simm.s32 $0x9900;
	s24 =	simm.s32 $0xA100  }
0xe: {  	s25 =	simm.s32 $0xA900;
	s26 =	simm.s32 $0xB100;
	s7 =	smul.u32 $0xC000, s5  }
0xf: {  	s6 =	sshll.u32 s5, $0x5;
	s9 =	sshrl.u32 s4, $0x1;
	s5 =	smul.u32 $0x1800, s5  }
0x10: {  	s6 =	sadd.s32 s6, s0;
	s9 =	ssub.s32 s4, s9;
	s4 =	sadd.s32 $0x43100, s0  }
0x11: {  	s21 =	sadd.s32 $0x42C00, s6;
	s22 =	sshrl.u32 s7, $0x3;
	s5 =	sadd.s32 s8, s5  }
0x12: {  	s7 =	simm.s32 $0x5;
	[dreg:$0x2] =	wrdreg s21;
	s6 =	sadd.s32 s8, s22  }
0x13: {  	v2 =	vlaneseq.u32;
	[dreg:$0x3] =	wrdreg s5;
	s5 =	sadd.s32 $0x43200, s0;
	s8 =	simm.s32 $0x100  }
0x14: {  	vm0 =	vmmov $0xffff;
	v1 =	vshrl.u32 v2, $0x3;
	s21 =	simm.s32 $0x8900;
	s22 =	simm.s32 $0x9100;
	s6 =	sadd.s32 $0xC00, s6  }
0x15: {  	v0 =	vand.u32 $0x7, v2;
	v2 =	vor.u32 $0x8, v2;
	v1 =	vmul.u32 $0x8, v1;
	s0 =	simm.s32 $0x4;
	[dreg:$0x4] =	wrdreg s6;
	s6 =	smax.u32 s9, $0x1  }
.LBB2_1:
0x16: {  	s1 =	rddreg [dreg:$0x2]  }
0x17: {  	[tilespmem:s2], [sflag:$0x5] =	stream.linear.gather [hbm4b:s1+s2], $0x100, $0x38;
	[tilespmem:$0xC100] =	vst v63  }
0x18: {  	_ =	swait.ge [sflag:s7], $0x100  }
0x19: {  	[sflag:s7] =	ssyncset.done $0x0  }
0x1a: {  	[sflag:s7] =	ssyncadd.s32 $0xFFFFFF00  }
0x1b: {  	v3 =	vld [tilespmem:$0x0];
	_ =	sdelay $0x4  }
0x1c: {  	v4 =	vshrl.u32 v3, $0x3  }
0x1d: {  	v4 =	vmul.u32 $0x30, v4  }
0x1e: {  	v3 =	vand.u32 $0x7, v3  }
0x1f: {  	v3 =	vor.u32 v3, v4  }
0x20: {  	v4 =	vperm.xlane v3, v0;
	_ =	sdelay $0x1  }
0x21: {  	v4 =	vadd.s32 v1, v4;
	_ =	sdelay $0x3  }
0x22: {  	v3 =	vperm.xlane v3, v2  }
0x23: {  	[tilespmem:s8], [sflag:$0x1] =	stream.indirect_vreg.gather [hbm4b:s3+s2], $0x80, v4, vm0, $0xb8;
	[tilespmem:$0xC100] =	vst v63  }
0x24: {  	s1 =	rddreg [dreg:$0x5];
	v3 =	vadd.s32 v1, v3  }
0x25: {  	[tilespmem:s1], [sflag:$0x1] =	stream.indirect_vreg.gather [hbm4b:s4+s2], $0x80, v4, vm0, $0xb8;
	[tilespmem:$0xC100] =	vst v63  }
0x26: {  	s9 =	rddreg [dreg:$0x6]  }
0x27: {  	[tilespmem:s9], [sflag:$0x1] =	stream.indirect_vreg.gather [hbm4b:s5+s2], $0x80, v4, vm0, $0xb8;
	[tilespmem:$0xC100] =	vst v63  }
0x28: {  	s1 =	rddreg [dreg:$0x7]  }
0x29: {  	[tilespmem:s1], [sflag:$0x1] =	stream.indirect_vreg.gather [hbm4b:s3+s2], $0x80, v3, vm0, $0xb8;
	[tilespmem:$0xC100] =	vst v63  }
0x2a: {  	s9 =	rddreg [dreg:$0x8]  }
0x2b: {  	[tilespmem:s9], [sflag:$0x1] =	stream.indirect_vreg.gather [hbm4b:s4+s2], $0x80, v3, vm0, $0xb8;
	[tilespmem:$0xC100] =	vst v63  }
0x2c: {  	s9 =	simm.s32 $0x2900  }
0x2d: {  	[tilespmem:s9], [sflag:$0x1] =	stream.indirect_vreg.gather [hbm4b:s5+s2], $0x80, v3, vm0, $0xb8;
	[tilespmem:$0xC100] =	vst v63  }
0x2e: {  	v3 =	vld [tilespmem:$0x10];
	_ =	sdelay $0x4  }
0x2f: {  	v61 =	vshrl.u32 v3, $0x3  }
0x30: {  	v4 =	vmul.u32 $0x30, v61  }
0x31: {  	v3 =	vand.u32 $0x7, v3  }
0x32: {  	v3 =	vor.u32 v3, v4  }
0x33: {  	v4 =	vperm.xlane v3, v0;
	_ =	sdelay $0x1  }
0x34: {  	v4 =	vadd.s32 v1, v4;
	_ =	sdelay $0x3  }
0x35: {  	v3 =	vperm.xlane v3, v2  }
0x36: {  	[tilespmem:s10], [sflag:$0x1] =	stream.indirect_vreg.gather [hbm4b:s3+s2], $0x80, v4, vm0, $0xb8;
	[tilespmem:$0xC100] =	vst v63  }
0x37: {  	v3 =	vadd.s32 v1, v3  }
0x38: {  	[tilespmem:s11], [sflag:$0x1] =	stream.indirect_vreg.gather [hbm4b:s4+s2], $0x80, v4, vm0, $0xb8;
	[tilespmem:$0xC100] =	vst v63  }
0x39: {  	_ = 	snop  }
0x3a: {  	[tilespmem:s12], [sflag:$0x1] =	stream.indirect_vreg.gather [hbm4b:s5+s2], $0x80, v4, vm0, $0xb8;
	[tilespmem:$0xC100] =	vst v63  }
0x3b: {  	_ = 	snop  }
0x3c: {  	[tilespmem:s13], [sflag:$0x1] =	stream.indirect_vreg.gather [hbm4b:s3+s2], $0x80, v3, vm0, $0xb8;
	[tilespmem:$0xC100] =	vst v63  }
0x3d: {  	_ = 	snop  }
0x3e: {  	[tilespmem:s14], [sflag:$0x1] =	stream.indirect_vreg.gather [hbm4b:s4+s2], $0x80, v3, vm0, $0xb8;
	[tilespmem:$0xC100] =	vst v63  }
0x3f: {  	_ = 	snop  }
0x40: {  	[tilespmem:s15], [sflag:$0x1] =	stream.indirect_vreg.gather [hbm4b:s5+s2], $0x80, v3, vm0, $0xb8;
	[tilespmem:$0xC100] =	vst v63  }
0x41: {  	v3 =	vld [tilespmem:$0x80];
	_ =	sdelay $0x4  }
0x42: {  	v62 =	vshrl.u32 v3, $0x3  }
0x43: {  	v4 =	vmul.u32 $0x30, v62  }
0x44: {  	v3 =	vand.u32 $0x7, v3  }
0x45: {  	v3 =	vor.u32 v3, v4  }
0x46: {  	v4 =	vperm.xlane v3, v0;
	_ =	sdelay $0x1  }
0x47: {  	v4 =	vadd.s32 v1, v4;
	_ =	sdelay $0x3  }
0x48: {  	v3 =	vperm.xlane v3, v2  }
0x49: {  	[tilespmem:s16], [sflag:$0x2] =	stream.indirect_vreg.gather [hbm4b:s3+s2], $0x80, v4, vm0, $0xb8;
	[tilespmem:$0xC100] =	vst v63  }
0x4a: {  	v3 =	vadd.s32 v1, v3  }
0x4b: {  	[tilespmem:s17], [sflag:$0x2] =	stream.indirect_vreg.gather [hbm4b:s4+s2], $0x80, v4, vm0, $0xb8;
	[tilespmem:$0xC100] =	vst v63  }
0x4c: {  	_ = 	snop  }
0x4d: {  	[tilespmem:s18], [sflag:$0x2] =	stream.indirect_vreg.gather [hbm4b:s5+s2], $0x80, v4, vm0, $0xb8;
	[tilespmem:$0xC100] =	vst v63  }
0x4e: {  	_ = 	snop  }
0x4f: {  	[tilespmem:s19], [sflag:$0x2] =	stream.indirect_vreg.gather [hbm4b:s3+s2], $0x80, v3, vm0, $0xb8;
	[tilespmem:$0xC100] =	vst v63  }
0x50: {  	_ = 	snop  }
0x51: {  	[tilespmem:s20], [sflag:$0x2] =	stream.indirect_vreg.gather [hbm4b:s4+s2], $0x80, v3, vm0, $0xb8;
	[tilespmem:$0xC100] =	vst v63  }
0x52: {  	_ = 	snop  }
0x53: {  	[tilespmem:s21], [sflag:$0x2] =	stream.indirect_vreg.gather [hbm4b:s5+s2], $0x80, v3, vm0, $0xb8;
	[tilespmem:$0xC100] =	vst v63  }
0x54: {  	v3 =	vld [tilespmem:$0x90];
	_ =	sdelay $0x4  }
0x55: {  	v63 =	vshrl.u32 v3, $0x3  }
0x56: {  	v4 =	vmul.u32 $0x30, v63  }
0x57: {  	v3 =	vand.u32 $0x7, v3  }
0x58: {  	v3 =	vor.u32 v3, v4  }
0x59: {  	v4 =	vperm.xlane v3, v0;
	_ =	sdelay $0x1  }
0x5a: {  	v4 =	vadd.s32 v1, v4;
	_ =	sdelay $0x3  }
0x5b: {  	v3 =	vperm.xlane v3, v2  }
0x5c: {  	[tilespmem:s22], [sflag:$0x2] =	stream.indirect_vreg.gather [hbm4b:s3+s2], $0x80, v4, vm0, $0xb8;
	[tilespmem:$0xC100] =	vst v63  }
0x5d: {  	v3 =	vadd.s32 v1, v3  }
0x5e: {  	[tilespmem:s23], [sflag:$0x2] =	stream.indirect_vreg.gather [hbm4b:s4+s2], $0x80, v4, vm0, $0xb8;
	[tilespmem:$0xC100] =	vst v63  }
0x5f: {  	_ = 	snop  }
0x60: {  	[tilespmem:s24], [sflag:$0x2] =	stream.indirect_vreg.gather [hbm4b:s5+s2], $0x80, v4, vm0, $0xb8;
	[tilespmem:$0xC100] =	vst v63  }
0x61: {  	_ = 	snop  }
0x62: {  	[tilespmem:s25], [sflag:$0x2] =	stream.indirect_vreg.gather [hbm4b:s3+s2], $0x80, v3, vm0, $0xb8;
	[tilespmem:$0xC100] =	vst v63  }
0x63: {  	_ = 	snop  }
0x64: {  	[tilespmem:s26], [sflag:$0x2] =	stream.indirect_vreg.gather [hbm4b:s4+s2], $0x80, v3, vm0, $0xb8;
	[tilespmem:$0xC100] =	vst v63  }
0x65: {  	_ = 	snop  }
0x66: {  	[tilespmem:s28], [sflag:$0x2] =	stream.indirect_vreg.gather [hbm4b:s5+s2], $0x80, v3, vm0, $0xb8;
	[tilespmem:$0xC100] =	vst v63  }
0x67: {  	_ =	swait.ge [sflag:s29], $0x6000  }
0x68: {  	[sflag:s29] =	ssyncset.done $0x0  }
0x69: {  	s9 =	rddreg [dreg:$0x3];
	[sflag:s29] =	ssyncadd.s32 $0xFFFFA000  }
0x6a: {  	[hbm4b:s9+s2] =	stream.linear.scatter [tilespmem:s8], [sflag:$0x3], $0x6000, $0x38;
	[tilespmem:$0xC100] =	vst v63  }
0x6b: {  	_ =	swait.ge [sflag:s30], $0x6000  }
0x6c: {  	[sflag:s30] =	ssyncset.done $0x0  }
0x6d: {  	s9 =	rddreg [dreg:$0x4];
	[sflag:s30] =	ssyncadd.s32 $0xFFFFA000  }
0x6e: {  	[hbm4b:s9+s2] =	stream.linear.scatter [tilespmem:s16], [sflag:$0x4], $0x6000, $0x38;
	[tilespmem:$0xC100] =	vst v63  }
0x6f: {  	p0 =	sne.s32 s6, $0x1;
	_ =	swait.ge [sflag:s31], $0x6000  }
.Ltmp0:
0x70: {  	[sflag:s31] =	ssyncset.done $0x0;
	(pc) =	sbr.rel @p0 .LBB2_1-.Ltmp0, $4  }
0x71: {  	[sflag:s31] =	ssyncadd.s32 $0xFFFFA000  }
0x72: {  	_ =	swait.ge [sflag:s0], $0x6000  }
0x73: {  	[sflag:s0] =	ssyncset.done $0x0  }
0x74: {  	s6 =	sadd.s32 $0xFFFFFFFF, s6;
	[sflag:s0] =	ssyncadd.s32 $0xFFFFA000  }
0x75: {  	_ =	sfence.sel $0x180000  }
0x76: {  	[bflag:$0x0] =	sbarrier.arrive $0xFFFF  }
0x77: {  	_ =	strace $0x9000004A  }
0x78: {  	s0 =	stileid.u32;
	[bflag:$0x2] =	sbarrier.arrive $0xFFFF  }
0x79: {  	p0 =	sne.s32 s0, $0x0;
	s0 =	rddreg [dreg:$0x1]  }
0x7a: {  	s0 =	sadd.s32 @!p0 $0x100000, s0  }
0x7b: {  	[sflag:s0] =	ssyncadd.tile.s32 @!p0 $0x1;
	_ =	shalt  }
.Lfunc_end2:
_tile_overlayer_lowered:
.L_overlay_start_2:
0x7c: {  	(tag) =	ssettag $0x2  }
0x7d: {  	s0 =	rddreg [dreg:$0x0];
	s2 =	stileid.u32  }
0x7e: {  	s1 =	rddreg [dreg:$0x1];
	p0 =	sne.s32 s2, $0x0  }
0x7f: {  	s3 =	rddreg [dreg:$0x2];
	[bflag:$0x3] =	sbarrier.arrive $0xFFFF;
	s2 =	simm.s32 @!p0 $0x1C05  }
0x80: {  	[timem:s3], [sflag:s2] =	dma.local @!p0 [hbm:s0], s1  }
0x81: {  	s0 =	simm.s32 @!p0 $0x5  }
0x82: {  	_ =	swait.ge @!p0 [sflag:s0], s1  }
0x83: {  	s1 =	ssub.s32 @!p0 $0x0, s1;
	[sflag:s0] =	ssyncset.done @!p0 $0x0  }
0x84: {  	[sflag:s0] =	ssyncadd.s32 @!p0 s1  }
0x85: {  	[bflag:$0x3] =	sbarrier.arrive $0xFFFF  }
0x86: {  	_ =	shalt  }

// kernel: kernel.9.cloned.1.call-start
scs
__scs_entry_jumppad:
0x0: {  	(pc) =	sbr.rel $0x88, $3  }
0x1: {  	(tag) =	ssettag $0x0;
	lr =	simm.s32 $0x1  }
0x2: {  	[smem:$0x3F8F] =	sst lr;
	_ =	strace $0xD0000000  }
0x3: {  	_ = 	snop  }
0x4: {  	_ = 	snop  }
0x5: {  	_ = 	snop  }
0x6: {  	_ = 	snop  }
0x7: {  	_ = 	snop  }
__scs_overlays_trampoline_lowered:
0x8: {  	[smem:$0x3F9E] =	sst s0  }
0x9: {  	[smem:$0x3F9F] =	sst s1  }
0xa: {  	[smem:$0x3FA0] =	sst s2  }
0xb: {  	[smem:$0x3FA1] =	sst s3  }
0xc: {  	[smem:$0x3FA2] =	sst s4  }
0xd: {  	[smem:$0x3FA3] =	sst s5  }
0xe: {  	[smem:$0x3FA4] =	sst s6  }
0xf: {  	[smem:$0x3FA5] =	sst s7  }
0x10: {  	[smem:$0x3FA6] =	sst s8  }
0x11: {  	[smem:$0x3FA7] =	sst s9;
	s0 =	simm.s32 @!p0 $0x0  }
0x12: {  	s1 =	sld [smem:$0x3F8D];
	s0 =	simm.s32 @p0 $0x1  }
0x13: {  	[smem:$0x3FA8] =	sst s0;
	s0 =	simm.s32 @!p1 $0x0  }
0x14: {  	s2 =	sld [smem:$0x3F8C];
	s0 =	simm.s32 @p1 $0x1  }
0x15: {  	[smem:$0x3FA9] =	sst s0;
	s0 =	simm.s32 @!p2 $0x0  }
0x16: {  	s3 =	sld [smem:$0x3FDB];
	s0 =	simm.s32 @p2 $0x1  }
0x17: {  	s4 =	simm.s32 $0x1BF5;
	[smem:$0x3FAB] =	sst s0  }
0x18: {  	s0 =	sld [smem:$0x3F8E];
	_ =	swait.ge [sflag:s4], $0x0  }
0x19: {  	s7 =	sld [smem:$0x3F8F]  }
0x1a: {  	s8 =	sadd.s32 $0xFFFFE003, lr  }
0x1b: {  	s9 =	sadd.s32 $0xFFFFFEF7, lr;
	s5 =	simm.s32 $0xFFFFFFFF;
	p2 =	slt.u32 s8, $0xFFFFF086  }
0x1c: {  	p1 =	slt.u32 s9, $0xF7A;
	s5 =	simm.s32 @!p2 $0x0  }
0x1d: {  	s5 =	simm.s32 @p1 $0x1;
	p0 =	seq.s32 s7, s2  }
0x1e: {  	s7 =	smul.u32 @!p0 $0xF7A, s2;
	p2 =	seq.s32 @!p0 s5, $0x0  }
0x1f: {  	s9 =	smul.u32 $0xF7A, s1;
	s8 =	simm.s32 @!p0 $0x1BF5;
	p2 =	por !p2, p0  }
0x20: {  	[sflag:s8] =	ssyncset.s32 @!p0 $0xFFFFF086;
	s6 =	sadd.s32 @!p0 s3, s7;
	s7 =	simm.s32 @!p0 $0x108  }
0x21: {  	s3 =	sadd.s32 s3, s9;
	s6 =	sadd.s32 @!p0 $0x88, s6;
	s7 =	simm.s32 @p2 $0x1082  }
0x22: {  	[simem:s7], [sflag:s8] =	dma.local @!p0 [hbm:s6], $0xF7A  }
0x23: {  	s9 =	sor.u32 $0xD0000000, s2;
	s6 =	simm.s32 $0x108;
	_ =	swait.ge @!p0 [sflag:s8], $0x0  }
0x24: {  	s3 =	sadd.s32 $0x88, s3;
	s6 =	simm.s32 @!p1 $0x1082;
	[sflag:s4] =	ssyncset.s32 $0xFFFFF086  }
0x25: {  	[simem:s6], [sflag:s4] =	dma.local [hbm:s3], $0xF7A  }
0x26: {  	[smem:$0x3F8F] =	sst s1;
	(tag) =	ssettag s2;
	_ =	strace s9  }
0x27: {  	s1 =	sld [smem:$0x3F9F]  }
0x28: {  	s2 =	sld [smem:$0x3FA0]  }
0x29: {  	s4 =	sld [smem:$0x3FA2]  }
0x2a: {  	p0 =	seq.s32 s5, $0x0;
	s5 =	sld [smem:$0x3FA3]  }
0x2b: {  	s6 =	sld [smem:$0x3FA4]  }
0x2c: {  	s7 =	sld [smem:$0x3FA5]  }
0x2d: {  	s3 =	simm.s32 $0x108;
	s8 =	sld [smem:$0x3FA6]  }
0x2e: {  	s3 =	simm.s32 @!p0 $0x1082;
	s9 =	sld [smem:$0x3FA7]  }
0x2f: {  	lr =	sadd.s32 s0, s3;
	s0 =	sld [smem:$0x3F9E]  }
0x30: {  	s3 =	sld [smem:$0x3FA1]  }
0x31: {  	[smem:$0x3FAA] =	sst s10  }
0x32: {  	s10 =	sld [smem:$0x3FA8];
	_ =	sdelay $0x3  }
0x33: {  	p0 =	seq.s32 s10, $0x1;
	s10 =	sld [smem:$0x3FAA];
	_ =	sdelay $0x3  }
0x34: {  	[smem:$0x3FAA] =	sst s10  }
0x35: {  	s10 =	sld [smem:$0x3FA9];
	_ =	sdelay $0x3  }
0x36: {  	p1 =	seq.s32 s10, $0x1;
	s10 =	sld [smem:$0x3FAA];
	_ =	sdelay $0x3  }
0x37: {  	[smem:$0x3FAA] =	sst s10  }
0x38: {  	s10 =	sld [smem:$0x3FAB]  }
0x39: {  	_ = 	snop;
	(pc) =	sbr.ind lr, $3  }
0x3a: {  	_ = 	snop  }
0x3b: {  	_ = 	snop  }
0x3c: {  	p2 =	seq.s32 s10, $0x1;
	s10 =	sld [smem:$0x3FAA]  }
0x3d: {  	_ =	shalt  }
0x3e: {  	_ =	shalt  }
0x3f: {  	_ =	shalt  }
0x40: {  	_ =	shalt  }
0x41: {  	_ =	shalt  }
0x42: {  	_ =	shalt  }
0x43: {  	_ =	shalt  }
0x44: {  	_ =	shalt  }
0x45: {  	_ =	shalt  }
0x46: {  	_ =	shalt  }
0x47: {  	_ =	shalt  }
0x48: {  	_ =	shalt  }
0x49: {  	_ =	shalt  }
0x4a: {  	_ =	shalt  }
0x4b: {  	_ =	shalt  }
0x4c: {  	_ =	shalt  }
0x4d: {  	_ =	shalt  }
0x4e: {  	_ =	shalt  }
0x4f: {  	_ =	shalt  }
0x50: {  	_ =	shalt  }
0x51: {  	_ =	shalt  }
0x52: {  	_ =	shalt  }
0x53: {  	_ =	shalt  }
0x54: {  	_ =	shalt  }
0x55: {  	_ =	shalt  }
0x56: {  	_ =	shalt  }
0x57: {  	_ =	shalt  }
0x58: {  	_ =	shalt  }
0x59: {  	_ =	shalt  }
0x5a: {  	_ =	shalt  }
0x5b: {  	_ =	shalt  }
0x5c: {  	_ =	shalt  }
0x5d: {  	_ =	shalt  }
0x5e: {  	_ =	shalt  }
0x5f: {  	_ =	shalt  }
0x60: {  	_ =	shalt  }
0x61: {  	_ =	shalt  }
0x62: {  	_ =	shalt  }
0x63: {  	_ =	shalt  }
0x64: {  	_ =	shalt  }
0x65: {  	_ =	shalt  }
0x66: {  	_ =	shalt  }
0x67: {  	_ =	shalt  }
0x68: {  	_ =	shalt  }
0x69: {  	_ =	shalt  }
0x6a: {  	_ =	shalt  }
0x6b: {  	_ =	shalt  }
0x6c: {  	_ =	shalt  }
0x6d: {  	_ =	shalt  }
0x6e: {  	_ =	shalt  }
0x6f: {  	_ =	shalt  }
0x70: {  	_ =	shalt  }
0x71: {  	_ =	shalt  }
0x72: {  	_ =	shalt  }
0x73: {  	_ =	shalt  }
0x74: {  	_ =	shalt  }
0x75: {  	_ =	shalt  }
0x76: {  	_ =	shalt  }
0x77: {  	_ =	shalt  }
0x78: {  	_ =	shalt  }
0x79: {  	_ =	shalt  }
0x7a: {  	_ =	shalt  }
0x7b: {  	_ =	shalt  }
0x7c: {  	_ =	shalt  }
0x7d: {  	_ =	shalt  }
0x7e: {  	_ =	shalt  }
0x7f: {  	_ =	shalt  }
0x80: {  	_ =	shalt  }
0x81: {  	_ =	shalt  }
0x82: {  	_ =	shalt  }
0x83: {  	_ =	shalt  }
0x84: {  	_ =	shalt  }
0x85: {  	_ =	shalt  }
0x86: {  	_ =	shalt  }
0x87: {  	_ =	shalt  }
.Lfunc_end0:
.L_simem_size_0:
called_computation_lowered:
.L_overlay_start_0:
0x88: {  	s2 =	sld [smem:$0x3FD9]  }
0x89: {  	s3 =	sld [smem:$0x3FFE];
	_ =	sdelay $0x1  }
0x8a: {  	s1 =	srdreg.scid  }
0x8b: {  	s0 =	sand.u32 $0x1, s1  }
0x8c: {  	s16 =	sshll.u32 s0, $0xA;
	s2 =	sadd.s32 s3, s2  }
0x8d: {  	s2 =	sadd.s32 s2, s16  }
0x8e: {  	[smem:$0x3FB6] =	sst s2  }
0x8f: {  	_ = 	snop  }
0x90: {  	(tm) =	ssettm $0x1  }
0x91: {  	s17 =	sld [smem:$0x3FFB];
	_ =	sdelay $0x3  }
0x92: {  	_ =	strace s17  }
0x93: {  	s2 =	sld [smem:$0x3FFC];
	_ =	sdelay $0x3  }
0x94: {  	_ =	strace s2  }
0x95: {  	s2 =	sld [smem:$0x3FFD];
	_ =	sdelay $0x3  }
0x96: {  	_ =	strace s2  }
0x97: {  	_ =	strace $0x8FFFFFFF  }
0x98: {  	s18 =	sld [smem:$0x3FDB];
	_ =	sdelay $0x1  }
0x99: {  	s19 =	simm.s32 $_scs_section_size  }
0x9a: {  	s4 =	simm.s32 $_size__tile_overlayer_lowered;
	s5 =	simm.s32 $_tile_overlayer_lowered  }
0x9b: {  	s22 =	simm.s32 $0x1BFF;
	s21 =	sshll.u32 s5, $0x1;
	s2 =	sadd.s32 s19, s18  }
0x9c: {  	s6 =	simm.s32 $0x0;
	s20 =	sshll.u32 s4, $0x1;
	s4 =	sadd.s32 s21, s2  }
0x9d: {  	[timem:s6], [sflag:s22] =	dma.local [hbm:s4], s20  }
0x9e: {  	_ =	swait.ge [sflag:s22], s20  }
0x9f: {  	s3 =	ssub.s32 $0x0, s20;
	[sflag:s22] =	ssyncset.done $0x0  }
0xa0: {  	[sflag:s22] =	ssyncadd.s32 s3;
	_ =	sdelay $0x1  }
0xa1: {  	s23 =	simm.s32 $0x1B8B  }
0xa2: {  	_ =	swait.ge [sflag:s23], $0x1  }
0xa3: {  	[sflag:s23] =	ssyncset.done $0x0  }
0xa4: {  	s25 =	simm.s32 $0x1B8E;
	s24 =	sld [smem:$0x3FFE];
	[sflag:s23] =	ssyncadd.s32 $0xFFFFFFFF  }
0xa5: {  	s26 =	simm.s32 $execute0_lowered;
	[smem:$0x3FD2] =	sst s25  }
0xa6: {  	s4 =	sshll.u32 s26, $0x1;
	_ =	strace $0x80000046;
	[dreg:$0x1] =	wrdreg $0xFFFFFFFF  }
0xa7: {  	s28 =	simm.s32 $_size_execute0_lowered;
	s2 =	sadd.s32 s2, s4;
	[dreg:$0x0] =	wrdreg $0x0  }
0xa8: {  	s4 =	sshll.u32 s28, $0x1;
	[dreg:$0x2] =	wrdreg s2  }
0xa9: {  	[dreg:$0x3] =	wrdreg s4  }
0xaa: {  	[dreg:$0x4] =	wrdreg $0xC0  }
0xab: {  	_ =	task [dreg:s6], $0x5FFFF  }
0xac: {  	[dreg:$0x1] =	wrdreg $0xFFFFFFFF  }
0xad: {  	[dreg:$0x0] =	wrdreg $0x60  }
0xae: {  	[dreg:$0x2] =	wrdreg s24  }
0xaf: {  	[dreg:$0x3] =	wrdreg $0x9  }
0xb0: {  	_ =	task.clear_ibuf [dreg:s6], $0x4FFFF;
	_ =	strace $0x90000046  }
0xb1: {  	s29 =	simm.s32 $0x9;
	_ =	strace $0x80000048  }
0xb2: {  	_ =	swait.ge [sflag:s29], $0x1  }
0xb3: {  	[sflag:s29] =	ssyncadd.s32 $0xFFFFFFFF  }
0xb4: {  	_ =	strace $0x90000048  }
0xb5: {  	_ =	sfence  }
0xb6: {  	s30 =	sld [smem:$0x0];
	_ =	sdelay $0x2  }
0xb7: {  	s31 =	sshll.u32 s1, $0xD;
	s1 =	sshrl.u32 s1, $0x2  }
0xb8: {  	s3 =	sand.u32 $0x4000, s31;
	s1 =	sadd.s32 s1, s30  }
0xb9: {  	s0 =	sor.u32 s3, s0;
	s1 =	sshll.u32 s1, $0x11  }
0xba: {  	s0 =	sor.u32 s1, s0  }
0xbb: {  	s0 =	sadd.s32 $0x8F2B, s0  }
0xbc: {  	[sflag:s0] =	ssyncadd.remote.s32 $0x1  }
0xbd: {  	_ =	sfence.sel $0xFFFF  }
0xbe: {  	[dreg:$0x0] =	wrdreg $0xFFFFFFFF;
	(pc) =	sbr.abs _section_cstart, $3  }
0xbf: {  	[dreg:$0x1] =	wrdreg $0xFFFFFFFF  }
0xc0: {  	_ =	task.clear_ibuf [dreg:s6], $0x2FFFF;
	_ =	strace $0x9FFFFFFF  }
0xc1: {  	(tm) =	ssettm $0x7FFFFFFF  }
tec
execute0_lowered:
.L_overlay_start_1:
0x0: {  	(tag) =	ssettag $0x1  }
0x1: {  	s0 =	rddreg [dreg:$0x0]  }
0x2: {  	s3 =	srdreg.scid;
	s1 =	stileid.u32;
	s2 =	simm.s32 $0x0  }
0x3: {  	s23 =	simm.s32 $0x900;
	s24 =	simm.s32 $0x1100;
	s25 =	simm.s32 $0x1900  }
0x4: {  	s26 =	simm.s32 $0x2100;
	s9 =	simm.s32 $0x6100;
	s10 =	simm.s32 $0x1  }
0x5: {  	s12 =	simm.s32 $0x3100;
	s13 =	simm.s32 $0x3900;
	s14 =	simm.s32 $0x4100  }
0x6: {  	s15 =	simm.s32 $0x4900;
	s16 =	simm.s32 $0x5100;
	s28 =	simm.s32 $0xA900  }
0x7: {  	s29 =	simm.s32 $0xB100;
	s30 =	simm.s32 $0xB900;
	[smem:$0x7FF] =	sst s2  }
0x8: {  	s31 =	simm.s32 $0x3;
	_ =	strace $0x80000047;
	[dreg:$0x5] =	wrdreg s23  }
0x9: {  	s3 =	sand.u32 $0x1, s3;
	s4 =	sshll.u32 s1, $0x1;
	[dreg:$0x6] =	wrdreg s24  }
0xa: {  	s7 =	sadd.s32 $0x2C00, s0;
	s4 =	sor.u32 s3, s4;
	[dreg:$0x7] =	wrdreg s25  }
0xb: {  	s8 =	ssub.s32 $0x2, s3;
	s3 =	sadd.s32 $0x43000, s0;
	[dreg:$0x8] =	wrdreg s26  }
0xc: {  	s23 =	simm.s32 $0x8900;
	s24 =	simm.s32 $0x9100;
	s25 =	simm.s32 $0x9900  }
0xd: {  	s26 =	simm.s32 $0xA100;
	s5 =	sshll.u32 s4, $0x5;
	s6 =	smul.u32 $0xC000, s4  }
0xe: {  	s4 =	smul.u32 $0x1800, s4;
	s21 =	sshrl.u32 s8, $0x1;
	s5 =	sadd.s32 s5, s0  }
0xf: {  	s22 =	ssub.s32 s8, s21;
	s8 =	simm.s32 $0x100;
	s21 =	simm.s32 $0x7900  }
0x10: {  	s17 =	sadd.s32 $0x42C00, s5;
	s18 =	sshrl.u32 s6, $0x3;
	s19 =	sadd.s32 s7, s4  }
0x11: {  	s5 =	sadd.s32 $0x43200, s0;
	s6 =	smax.u32 s22, $0x1;
	[dreg:$0x2] =	wrdreg s17  }
0x12: {  	s22 =	simm.s32 $0x8100;
	s20 =	sadd.s32 s7, s18;
	[dreg:$0x3] =	wrdreg s19  }
0x13: {  	v2 =	vlaneseq.u32;
	s7 =	simm.s32 $0x5;
	s17 =	simm.s32 $0x5900;
	s18 =	simm.s32 $0x2  }
0x14: {  	vm0 =	vmmov $0xffff;
	v1 =	vshrl.u32 v2, $0x3;
	s19 =	simm.s32 $0x6900;
	s4 =	sadd.s32 $0xC00, s20;
	s20 =	simm.s32 $0x7100  }
0x15: {  	v0 =	vand.u32 $0x7, v2;
	v2 =	vor.u32 $0x8, v2;
	v1 =	vmul.u32 $0x8, v1;
	[dreg:$0x4] =	wrdreg s4;
	s4 =	sadd.s32 $0x43100, s0;
	s0 =	simm.s32 $0x4  }
.LBB2_1:
0x16: {  	s1 =	rddreg [dreg:$0x2]  }
0x17: {  	[tilespmem:s2], [sflag:$0x5] =	stream.linear.gather [hbm4b:s1+s2], $0x100, $0x38;
	[tilespmem:$0xC100] =	vst v63  }
0x18: {  	_ =	swait.ge [sflag:s7], $0x100  }
0x19: {  	[sflag:s7] =	ssyncset.done $0x0  }
0x1a: {  	s1 =	rddreg [dreg:$0x3];
	[sflag:s7] =	ssyncadd.s32 $0xFFFFFF00  }
0x1b: {  	[tilespmem:s8], [sflag:$0x1] =	stream.linear.gather [hbm4b:s1+s2], $0x6000, $0x38;
	[tilespmem:$0xC100] =	vst v63  }
0x1c: {  	s11 =	rddreg [dreg:$0x4]  }
0x1d: {  	[tilespmem:s9], [sflag:$0x2] =	stream.linear.gather [hbm4b:s11+s2], $0x6000, $0x38;
	[tilespmem:$0xC100] =	vst v63  }
0x1e: {  	_ =	swait.ge [sflag:s10], $0x6000  }
0x1f: {  	[sflag:s10] =	ssyncset.done $0x0  }
0x20: {  	[sflag:s10] =	ssyncadd.s32 $0xFFFFA000  }
0x21: {  	v3 =	vld [tilespmem:$0x0];
	_ =	sdelay $0x4  }
0x22: {  	v4 =	vshrl.u32 v3, $0x3  }
0x23: {  	v4 =	vmul.u32 $0x30, v4  }
0x24: {  	v3 =	vand.u32 $0x7, v3  }
0x25: {  	v3 =	vor.u32 v3, v4  }
0x26: {  	v4 =	vperm.xlane v3, v0;
	_ =	sdelay $0x1  }
0x27: {  	v4 =	vadd.s32 v1, v4;
	_ =	sdelay $0x3  }
0x28: {  	v3 =	vperm.xlane v3, v2  }
0x29: {  	[hbm4b:s3+s2] =	stream.indirect_vreg.scatter [tilespmem:s8], [sflag:$0x3], $0x80, v4, vm0, $0xb8;
	[tilespmem:$0xC100] =	vst v63  }
0x2a: {  	s1 =	rddreg [dreg:$0x5];
	v3 =	vadd.s32 v1, v3  }
0x2b: {  	[hbm4b:s4+s2] =	stream.indirect_vreg.scatter [tilespmem:s1], [sflag:$0x3], $0x80, v4, vm0, $0xb8;
	[tilespmem:$0xC100] =	vst v63  }
0x2c: {  	s11 =	rddreg [dreg:$0x6]  }
0x2d: {  	[hbm4b:s5+s2] =	stream.indirect_vreg.scatter [tilespmem:s11], [sflag:$0x3], $0x80, v4, vm0, $0xb8;
	[tilespmem:$0xC100] =	vst v63  }
0x2e: {  	s1 =	rddreg [dreg:$0x7]  }
0x2f: {  	[hbm4b:s3+s2] =	stream.indirect_vreg.scatter [tilespmem:s1], [sflag:$0x3], $0x80, v3, vm0, $0xb8;
	[tilespmem:$0xC100] =	vst v63  }
0x30: {  	s11 =	rddreg [dreg:$0x8]  }
0x31: {  	[hbm4b:s4+s2] =	stream.indirect_vreg.scatter [tilespmem:s11], [sflag:$0x3], $0x80, v3, vm0, $0xb8;
	[tilespmem:$0xC100] =	vst v63  }
0x32: {  	s11 =	simm.s32 $0x2900  }
0x33: {  	[hbm4b:s5+s2] =	stream.indirect_vreg.scatter [tilespmem:s11], [sflag:$0x3], $0x80, v3, vm0, $0xb8;
	[tilespmem:$0xC100] =	vst v63  }
0x34: {  	v3 =	vld [tilespmem:$0x10];
	_ =	sdelay $0x4  }
0x35: {  	v61 =	vshrl.u32 v3, $0x3  }
0x36: {  	v4 =	vmul.u32 $0x30, v61  }
0x37: {  	v3 =	vand.u32 $0x7, v3  }
0x38: {  	v3 =	vor.u32 v3, v4  }
0x39: {  	v4 =	vperm.xlane v3, v0;
	_ =	sdelay $0x1  }
0x3a: {  	v4 =	vadd.s32 v1, v4;
	_ =	sdelay $0x3  }
0x3b: {  	v3 =	vperm.xlane v3, v2  }
0x3c: {  	[hbm4b:s3+s2] =	stream.indirect_vreg.scatter [tilespmem:s12], [sflag:$0x3], $0x80, v4, vm0, $0xb8;
	[tilespmem:$0xC100] =	vst v63  }
0x3d: {  	v3 =	vadd.s32 v1, v3  }
0x3e: {  	[hbm4b:s4+s2] =	stream.indirect_vreg.scatter [tilespmem:s13], [sflag:$0x3], $0x80, v4, vm0, $0xb8;
	[tilespmem:$0xC100] =	vst v63  }
0x3f: {  	_ = 	snop  }
0x40: {  	[hbm4b:s5+s2] =	stream.indirect_vreg.scatter [tilespmem:s14], [sflag:$0x3], $0x80, v4, vm0, $0xb8;
	[tilespmem:$0xC100] =	vst v63  }
0x41: {  	_ = 	snop  }
0x42: {  	[hbm4b:s3+s2] =	stream.indirect_vreg.scatter [tilespmem:s15], [sflag:$0x3], $0x80, v3, vm0, $0xb8;
	[tilespmem:$0xC100] =	vst v63  }
0x43: {  	_ = 	snop  }
0x44: {  	[hbm4b:s4+s2] =	stream.indirect_vreg.scatter [tilespmem:s16], [sflag:$0x3], $0x80, v3, vm0, $0xb8;
	[tilespmem:$0xC100] =	vst v63  }
0x45: {  	_ = 	snop  }
0x46: {  	[hbm4b:s5+s2] =	stream.indirect_vreg.scatter [tilespmem:s17], [sflag:$0x3], $0x80, v3, vm0, $0xb8;
	[tilespmem:$0xC100] =	vst v63  }
0x47: {  	_ =	swait.ge [sflag:s18], $0x6000  }
0x48: {  	[sflag:s18] =	ssyncset.done $0x0  }
0x49: {  	[sflag:s18] =	ssyncadd.s32 $0xFFFFA000  }
0x4a: {  	v3 =	vld [tilespmem:$0x80];
	_ =	sdelay $0x4  }
0x4b: {  	v62 =	vshrl.u32 v3, $0x3  }
0x4c: {  	v4 =	vmul.u32 $0x30, v62  }
0x4d: {  	v3 =	vand.u32 $0x7, v3  }
0x4e: {  	v3 =	vor.u32 v3, v4  }
0x4f: {  	v4 =	vperm.xlane v3, v0;
	_ =	sdelay $0x1  }
0x50: {  	v4 =	vadd.s32 v1, v4;
	_ =	sdelay $0x3  }
0x51: {  	v3 =	vperm.xlane v3, v2  }
0x52: {  	[hbm4b:s3+s2] =	stream.indirect_vreg.scatter [tilespmem:s9], [sflag:$0x4], $0x80, v4, vm0, $0xb8;
	[tilespmem:$0xC100] =	vst v63  }
0x53: {  	v3 =	vadd.s32 v1, v3  }
0x54: {  	[hbm4b:s4+s2] =	stream.indirect_vreg.scatter [tilespmem:s19], [sflag:$0x4], $0x80, v4, vm0, $0xb8;
	[tilespmem:$0xC100] =	vst v63  }
0x55: {  	_ = 	snop  }
0x56: {  	[hbm4b:s5+s2] =	stream.indirect_vreg.scatter [tilespmem:s20], [sflag:$0x4], $0x80, v4, vm0, $0xb8;
	[tilespmem:$0xC100] =	vst v63  }
0x57: {  	_ = 	snop  }
0x58: {  	[hbm4b:s3+s2] =	stream.indirect_vreg.scatter [tilespmem:s21], [sflag:$0x4], $0x80, v3, vm0, $0xb8;
	[tilespmem:$0xC100] =	vst v63  }
0x59: {  	_ = 	snop  }
0x5a: {  	[hbm4b:s4+s2] =	stream.indirect_vreg.scatter [tilespmem:s22], [sflag:$0x4], $0x80, v3, vm0, $0xb8;
	[tilespmem:$0xC100] =	vst v63  }
0x5b: {  	_ = 	snop  }
0x5c: {  	[hbm4b:s5+s2] =	stream.indirect_vreg.scatter [tilespmem:s23], [sflag:$0x4], $0x80, v3, vm0, $0xb8;
	[tilespmem:$0xC100] =	vst v63  }
0x5d: {  	v3 =	vld [tilespmem:$0x90];
	_ =	sdelay $0x4  }
0x5e: {  	v63 =	vshrl.u32 v3, $0x3  }
0x5f: {  	v4 =	vmul.u32 $0x30, v63  }
0x60: {  	v3 =	vand.u32 $0x7, v3  }
0x61: {  	v3 =	vor.u32 v3, v4  }
0x62: {  	v4 =	vperm.xlane v3, v0;
	_ =	sdelay $0x1  }
0x63: {  	v4 =	vadd.s32 v1, v4;
	_ =	sdelay $0x3  }
0x64: {  	v3 =	vperm.xlane v3, v2  }
0x65: {  	[hbm4b:s3+s2] =	stream.indirect_vreg.scatter [tilespmem:s24], [sflag:$0x4], $0x80, v4, vm0, $0xb8;
	[tilespmem:$0xC100] =	vst v63  }
0x66: {  	v3 =	vadd.s32 v1, v3  }
0x67: {  	[hbm4b:s4+s2] =	stream.indirect_vreg.scatter [tilespmem:s25], [sflag:$0x4], $0x80, v4, vm0, $0xb8;
	[tilespmem:$0xC100] =	vst v63  }
0x68: {  	_ = 	snop  }
0x69: {  	[hbm4b:s5+s2] =	stream.indirect_vreg.scatter [tilespmem:s26], [sflag:$0x4], $0x80, v4, vm0, $0xb8;
	[tilespmem:$0xC100] =	vst v63  }
0x6a: {  	_ = 	snop  }
0x6b: {  	[hbm4b:s3+s2] =	stream.indirect_vreg.scatter [tilespmem:s28], [sflag:$0x4], $0x80, v3, vm0, $0xb8;
	[tilespmem:$0xC100] =	vst v63  }
0x6c: {  	_ = 	snop  }
0x6d: {  	[hbm4b:s4+s2] =	stream.indirect_vreg.scatter [tilespmem:s29], [sflag:$0x4], $0x80, v3, vm0, $0xb8;
	[tilespmem:$0xC100] =	vst v63  }
0x6e: {  	_ = 	snop  }
0x6f: {  	[hbm4b:s5+s2] =	stream.indirect_vreg.scatter [tilespmem:s30], [sflag:$0x4], $0x80, v3, vm0, $0xb8;
	[tilespmem:$0xC100] =	vst v63  }
0x70: {  	p0 =	sne.s32 s6, $0x1;
	_ =	swait.ge [sflag:s31], $0x6000  }
.Ltmp0:
0x71: {  	[sflag:s31] =	ssyncset.done $0x0;
	(pc) =	sbr.rel @p0 .LBB2_1-.Ltmp0, $4  }
0x72: {  	[sflag:s31] =	ssyncadd.s32 $0xFFFFA000  }
0x73: {  	_ =	swait.ge [sflag:s0], $0x6000  }
0x74: {  	[sflag:s0] =	ssyncset.done $0x0  }
0x75: {  	s6 =	sadd.s32 $0xFFFFFFFF, s6;
	[sflag:s0] =	ssyncadd.s32 $0xFFFFA000  }
0x76: {  	_ =	sfence.sel $0x180000  }
0x77: {  	[bflag:$0x0] =	sbarrier.arrive $0xFFFF  }
0x78: {  	_ =	strace $0x90000047  }
0x79: {  	s0 =	stileid.u32;
	[bflag:$0x2] =	sbarrier.arrive $0xFFFF  }
0x7a: {  	p0 =	sne.s32 s0, $0x0;
	s0 =	rddreg [dreg:$0x1]  }
0x7b: {  	s0 =	sadd.s32 @!p0 $0x100000, s0  }
0x7c: {  	[sflag:s0] =	ssyncadd.tile.s32 @!p0 $0x1;
	_ =	shalt  }
.Lfunc_end2:
_tile_overlayer_lowered:
.L_overlay_start_2:
0x7d: {  	(tag) =	ssettag $0x2  }
0x7e: {  	s0 =	rddreg [dreg:$0x0];
	s2 =	stileid.u32  }
0x7f: {  	s1 =	rddreg [dreg:$0x1];
	p0 =	sne.s32 s2, $0x0  }
0x80: {  	s3 =	rddreg [dreg:$0x2];
	[bflag:$0x3] =	sbarrier.arrive $0xFFFF;
	s2 =	simm.s32 @!p0 $0x1C05  }
0x81: {  	[timem:s3], [sflag:s2] =	dma.local @!p0 [hbm:s0], s1  }
0x82: {  	s0 =	simm.s32 @!p0 $0x5  }
0x83: {  	_ =	swait.ge @!p0 [sflag:s0], s1  }
0x84: {  	s1 =	ssub.s32 @!p0 $0x0, s1;
	[sflag:s0] =	ssyncset.done @!p0 $0x0  }
0x85: {  	[sflag:s0] =	ssyncadd.s32 @!p0 s1  }
0x86: {  	[bflag:$0x3] =	sbarrier.arrive $0xFFFF  }
0x87: {  	_ =	shalt  }

</sc_bundles>
